<compile_context>
chip_gen: v7x
topology: tpu7x:2x2x1
jax: 0.10.2.dev20260603
libtpu: 0.0.44.dev20260713+nightly
codegen_flags: <defaults>
</compile_context>

<pallas_src>
import functools

import jax
import jax.numpy as jnp
from jax import lax
from jax.experimental import pallas as pl
from jax.experimental.pallas import tpu as pltpu
from jax.experimental.pallas import tpu_sc as plsc

M = 100000
N = 50000
D = 128

NC = 2
NS = 16
NW = NC * NS

CHUNK = 112
NCHUNK = 14
C = CHUNK * NCHUNK
NBUF = 6


@functools.cache
def _get_sc_scatter():
    mesh = plsc.VectorSubcoreMesh(
        core_axis_name="c", subcore_axis_name="s",
        num_cores=NC, num_subcores=NS)

    @functools.partial(
        pl.kernel,
        mesh=mesh,
        out_type=(),
        scratch_types=[
            pltpu.VMEM((NCHUNK, CHUNK), jnp.int32),
            pltpu.VMEM((NBUF, CHUNK, D), jnp.float32),
            pltpu.SemaphoreType.DMA,
            [pltpu.SemaphoreType.DMA] * NBUF,
            [pltpu.SemaphoreType.DMA] * NBUF,
        ],
    )
    def _sc_scatter(xl_hbm, idx_hbm, out_hbm, idx_v, rows_v, isem, gsems,
                    ssems):
        c = lax.axis_index("c")
        s = lax.axis_index("s")
        wid = s * NC + c
        start = jnp.minimum(wid * C, N - C)

        icopies = [
            pltpu.async_copy(
                idx_hbm.at[pl.ds(start + j * CHUNK, CHUNK)], idx_v.at[j],
                isem)
            for j in range(NCHUNK)
        ]

        def gather(j):
            b = j % NBUF
            return pltpu.async_copy(
                xl_hbm.at[pl.ds(start + j * CHUNK, CHUNK), :],
                rows_v.at[b], gsems[b])

        gathers = [gather(0), gather(1)]
        for icopy in icopies:
            icopy.wait()
        scats = [None] * NCHUNK
        for j in range(NCHUNK):
            b = j % NBUF
            prev = j + 2 - NBUF
            if prev >= 0:
                scats[prev].wait()
            if j + 2 < NCHUNK:
                gathers.append(gather(j + 2))
            gathers[j].wait()
            scats[j] = pltpu.async_copy(
                rows_v.at[b], out_hbm.at[idx_v.at[j]], ssems[b])
        for j in range(max(0, NCHUNK - (NBUF - 2)), NCHUNK):
            scats[j].wait()

    return _sc_scatter


_ZBLK = 10000


def _zero_body(o_ref):
    o_ref[...] = jnp.zeros_like(o_ref)


_zero_fill = pl.pallas_call(
    _zero_body,
    out_shape=jax.ShapeDtypeStruct((M, D), jnp.float32),
    grid=(M // _ZBLK,),
    out_specs=pl.BlockSpec((_ZBLK, D), lambda i: (i, 0)),
)


def kernel(xl, idxs, up_shape):
    del up_shape
    idxs = idxs.astype(jnp.int32)
    out_ref = jax.new_ref(_zero_fill())
    _get_sc_scatter()(xl, idxs, out_ref)
    return jax.freeze(out_ref)

# --- scband reference (transcript-rebuilt; emitter-appended) ---
"""Pipeline reference for scband-gunpool-66537633350265 (READ-ONLY COPY).

The authoritative reference and input builder live on the scoring server;
editing this copy changes nothing except your own understanding.
"""

import jax, jax.numpy as jnp
import numpy as np

M = 100000  # up_shape[0]
N = 50000   # pooled node count
D = 128     # feature dim

def setup_inputs(seed: int = 0) -> dict:
    key = jax.random.key(seed)
    k1, k2 = jax.random.split(key)
    xl = jax.random.normal(k1, (N, D), dtype=jnp.float32)
    # idxs: indices into the unpooled node set. Use a permutation so indices are
    # unique (as produced by a graph pooling op); guarantees deterministic scatter.
    idxs = jax.random.permutation(k2, M)[:N].astype(jnp.int64)
    up_shape = (M, D)
    return {"xl": xl, "idxs": idxs, "up_shape": up_shape}

def reference(xl, idxs, up_shape):
    # xl1 = torch.zeros(up_shape[0], xl.shape[1]); xl1[idxs] = xl
    xl1 = jnp.zeros((M, xl.shape[1]), dtype=xl.dtype)
    dep = (up_shape[0] - M) + (up_shape[1] - xl.shape[1])
    xl1 = xl1 + jnp.asarray(dep, dtype=xl.dtype)
    xl1 = xl1.at[idxs].set(xl)
    return xl1

if __name__ == "__main__":
    import jax
    _d = setup_inputs()
    print(jax.jit(kernel)(*tuple(_d.values())))

</pallas_src>

<mosaic_0001>
#map = affine_map<(d0, d1) -> (0, 0)>
#map1 = affine_map<(d0, d1) -> (0)>
module attributes {stable_mosaic.version = 14 : i64} {
  func.func @new_body(%arg0: i32, %arg1: i32, %arg2: memref<50000x128xf32, #tpu.memory_space<hbm>>, %arg3: memref<50000xi32, #tpu.memory_space<hbm>>, %arg4: memref<100000x128xf32, #tpu.memory_space<hbm>>, %arg5: memref<100000x128xf32, #tpu.memory_space<hbm>>, %arg6: memref<14x112xi32, #tpu.memory_space<vmem>>, %arg7: memref<6x112x128xf32, #tpu.memory_space<vmem>>, %arg8: memref<!tpu.dma_semaphore, #tpu.memory_space<semaphore_mem>>, %arg9: memref<!tpu.dma_semaphore, #tpu.memory_space<semaphore_mem>>, %arg10: memref<!tpu.dma_semaphore, #tpu.memory_space<semaphore_mem>>, %arg11: memref<!tpu.dma_semaphore, #tpu.memory_space<semaphore_mem>>, %arg12: memref<!tpu.dma_semaphore, #tpu.memory_space<semaphore_mem>>, %arg13: memref<!tpu.dma_semaphore, #tpu.memory_space<semaphore_mem>>, %arg14: memref<!tpu.dma_semaphore, #tpu.memory_space<semaphore_mem>>, %arg15: memref<!tpu.dma_semaphore, #tpu.memory_space<semaphore_mem>>, %arg16: memref<!tpu.dma_semaphore, #tpu.memory_space<semaphore_mem>>, %arg17: memref<!tpu.dma_semaphore, #tpu.memory_space<semaphore_mem>>, %arg18: memref<!tpu.dma_semaphore, #tpu.memory_space<semaphore_mem>>, %arg19: memref<!tpu.dma_semaphore, #tpu.memory_space<semaphore_mem>>, %arg20: memref<!tpu.dma_semaphore, #tpu.memory_space<semaphore_mem>>) attributes {dimension_semantics = [#tpu.dimension_semantics<core_parallel>, #tpu.dimension_semantics<subcore_parallel>], iteration_bounds = array<i64: 2, 16>, scalar_prefetch = 0 : i64, scratch_operands = 15 : i64, tpu.core_type = #tpu.core_type<sc_vector_subcore>, window_params = [{transform_indices = #map}, {transform_indices = #map1}, {transform_indices = #map}, {transform_indices = #map}]} {
    %mul3A = arith.constant 2 : i32
    %mul3A_0 = arith.muli %arg1, %mul3A : i32
    %add3A = arith.addi %mul3A_0, %arg0 : i32
    %mul3A_1 = arith.constant 1568 : i32
    %mul3A_2 = arith.muli %add3A, %mul3A_1 : i32
    %min3A = arith.constant 48432 : i32
    %min3A_3 = arith.minsi %mul3A_2, %min3A : i32
    %add3A_4 = arith.constant 0 : i32
    %add3A_5 = arith.addi %min3A_3, %add3A_4 : i32
    %dma_start3A = arith.constant 0 : i32
    %dma_start3A_6 = arith.constant 0 : i32
    %dma_start3A_7 = tpu.memref_slice %arg6[%dma_start3A, %dma_start3A_6] : memref<14x112xi32, #tpu.memory_space<vmem>> -> memref<1x112xi32, #tpu.memory_space<vmem>>
    %dma_start3A_8 = tpu.memref_squeeze %dma_start3A_7 : memref<1x112xi32, #tpu.memory_space<vmem>> -> memref<112xi32, #tpu.memory_space<vmem>>
    %dma_start3A_9 = tpu.memref_slice %arg3[%add3A_5] : memref<50000xi32, #tpu.memory_space<hbm>> -> memref<112xi32, #tpu.memory_space<hbm>>
    %dma_start3A_10 = arith.constant 0 : i32
    %dma_start3A_11 = tpu.memref_slice %arg6[%dma_start3A, %dma_start3A_10] : memref<14x112xi32, #tpu.memory_space<vmem>> -> memref<1x112xi32, #tpu.memory_space<vmem>>
    %dma_start3A_12 = tpu.memref_squeeze %dma_start3A_11 : memref<1x112xi32, #tpu.memory_space<vmem>> -> memref<112xi32, #tpu.memory_space<vmem>>
    %dma_start3A_13 = tpu.memref_slice %arg3[%add3A_5] : memref<50000xi32, #tpu.memory_space<hbm>> -> memref<112xi32, #tpu.memory_space<hbm>>
    tpu.enqueue_dma source(%dma_start3A_13 : memref<112xi32, #tpu.memory_space<hbm>>) target(%dma_start3A_12 : memref<112xi32, #tpu.memory_space<vmem>>) target_semaphore(%arg8 : memref<!tpu.dma_semaphore, #tpu.memory_space<semaphore_mem>>)
    %add3A_14 = arith.constant 112 : i32
    %add3A_15 = arith.addi %min3A_3, %add3A_14 : i32
    %dma_start3A_16 = arith.constant 1 : i32
    %dma_start3A_17 = arith.constant 0 : i32
    %dma_start3A_18 = tpu.memref_slice %arg6[%dma_start3A_16, %dma_start3A_17] : memref<14x112xi32, #tpu.memory_space<vmem>> -> memref<1x112xi32, #tpu.memory_space<vmem>>
    %dma_start3A_19 = tpu.memref_squeeze %dma_start3A_18 : memref<1x112xi32, #tpu.memory_space<vmem>> -> memref<112xi32, #tpu.memory_space<vmem>>
    %dma_start3A_20 = tpu.memref_slice %arg3[%add3A_15] : memref<50000xi32, #tpu.memory_space<hbm>> -> memref<112xi32, #tpu.memory_space<hbm>>
    %dma_start3A_21 = arith.constant 0 : i32
    %dma_start3A_22 = tpu.memref_slice %arg6[%dma_start3A_16, %dma_start3A_21] : memref<14x112xi32, #tpu.memory_space<vmem>> -> memref<1x112xi32, #tpu.memory_space<vmem>>
    %dma_start3A_23 = tpu.memref_squeeze %dma_start3A_22 : memref<1x112xi32, #tpu.memory_space<vmem>> -> memref<112xi32, #tpu.memory_space<vmem>>
    %dma_start3A_24 = tpu.memref_slice %arg3[%add3A_15] : memref<50000xi32, #tpu.memory_space<hbm>> -> memref<112xi32, #tpu.memory_space<hbm>>
    tpu.enqueue_dma source(%dma_start3A_24 : memref<112xi32, #tpu.memory_space<hbm>>) target(%dma_start3A_23 : memref<112xi32, #tpu.memory_space<vmem>>) target_semaphore(%arg8 : memref<!tpu.dma_semaphore, #tpu.memory_space<semaphore_mem>>)
    %add3A_25 = arith.constant 224 : i32
    %add3A_26 = arith.addi %min3A_3, %add3A_25 : i32
    %dma_start3A_27 = arith.constant 2 : i32
    %dma_start3A_28 = arith.constant 0 : i32
    %dma_start3A_29 = tpu.memref_slice %arg6[%dma_start3A_27, %dma_start3A_28] : memref<14x112xi32, #tpu.memory_space<vmem>> -> memref<1x112xi32, #tpu.memory_space<vmem>>
    %dma_start3A_30 = tpu.memref_squeeze %dma_start3A_29 : memref<1x112xi32, #tpu.memory_space<vmem>> -> memref<112xi32, #tpu.memory_space<vmem>>
    %dma_start3A_31 = tpu.memref_slice %arg3[%add3A_26] : memref<50000xi32, #tpu.memory_space<hbm>> -> memref<112xi32, #tpu.memory_space<hbm>>
    %dma_start3A_32 = arith.constant 0 : i32
    %dma_start3A_33 = tpu.memref_slice %arg6[%dma_start3A_27, %dma_start3A_32] : memref<14x112xi32, #tpu.memory_space<vmem>> -> memref<1x112xi32, #tpu.memory_space<vmem>>
    %dma_start3A_34 = tpu.memref_squeeze %dma_start3A_33 : memref<1x112xi32, #tpu.memory_space<vmem>> -> memref<112xi32, #tpu.memory_space<vmem>>
    %dma_start3A_35 = tpu.memref_slice %arg3[%add3A_26] : memref<50000xi32, #tpu.memory_space<hbm>> -> memref<112xi32, #tpu.memory_space<hbm>>
    tpu.enqueue_dma source(%dma_start3A_35 : memref<112xi32, #tpu.memory_space<hbm>>) target(%dma_start3A_34 : memref<112xi32, #tpu.memory_space<vmem>>) target_semaphore(%arg8 : memref<!tpu.dma_semaphore, #tpu.memory_space<semaphore_mem>>)
    %add3A_36 = arith.constant 336 : i32
    %add3A_37 = arith.addi %min3A_3, %add3A_36 : i32
    %dma_start3A_38 = arith.constant 3 : i32
    %dma_start3A_39 = arith.constant 0 : i32
    %dma_start3A_40 = tpu.memref_slice %arg6[%dma_start3A_38, %dma_start3A_39] : memref<14x112xi32, #tpu.memory_space<vmem>> -> memref<1x112xi32, #tpu.memory_space<vmem>>
    %dma_start3A_41 = tpu.memref_squeeze %dma_start3A_40 : memref<1x112xi32, #tpu.memory_space<vmem>> -> memref<112xi32, #tpu.memory_space<vmem>>
    %dma_start3A_42 = tpu.memref_slice %arg3[%add3A_37] : memref<50000xi32, #tpu.memory_space<hbm>> -> memref<112xi32, #tpu.memory_space<hbm>>
    %dma_start3A_43 = arith.constant 0 : i32
    %dma_start3A_44 = tpu.memref_slice %arg6[%dma_start3A_38, %dma_start3A_43] : memref<14x112xi32, #tpu.memory_space<vmem>> -> memref<1x112xi32, #tpu.memory_space<vmem>>
    %dma_start3A_45 = tpu.memref_squeeze %dma_start3A_44 : memref<1x112xi32, #tpu.memory_space<vmem>> -> memref<112xi32, #tpu.memory_space<vmem>>
    %dma_start3A_46 = tpu.memref_slice %arg3[%add3A_37] : memref<50000xi32, #tpu.memory_space<hbm>> -> memref<112xi32, #tpu.memory_space<hbm>>
    tpu.enqueue_dma source(%dma_start3A_46 : memref<112xi32, #tpu.memory_space<hbm>>) target(%dma_start3A_45 : memref<112xi32, #tpu.memory_space<vmem>>) target_semaphore(%arg8 : memref<!tpu.dma_semaphore, #tpu.memory_space<semaphore_mem>>)
    %add3A_47 = arith.constant 448 : i32
    %add3A_48 = arith.addi %min3A_3, %add3A_47 : i32
    %dma_start3A_49 = arith.constant 4 : i32
    %dma_start3A_50 = arith.constant 0 : i32
    %dma_start3A_51 = tpu.memref_slice %arg6[%dma_start3A_49, %dma_start3A_50] : memref<14x112xi32, #tpu.memory_space<vmem>> -> memref<1x112xi32, #tpu.memory_space<vmem>>
    %dma_start3A_52 = tpu.memref_squeeze %dma_start3A_51 : memref<1x112xi32, #tpu.memory_space<vmem>> -> memref<112xi32, #tpu.memory_space<vmem>>
    %dma_start3A_53 = tpu.memref_slice %arg3[%add3A_48] : memref<50000xi32, #tpu.memory_space<hbm>> -> memref<112xi32, #tpu.memory_space<hbm>>
    %dma_start3A_54 = arith.constant 0 : i32
    %dma_start3A_55 = tpu.memref_slice %arg6[%dma_start3A_49, %dma_start3A_54] : memref<14x112xi32, #tpu.memory_space<vmem>> -> memref<1x112xi32, #tpu.memory_space<vmem>>
    %dma_start3A_56 = tpu.memref_squeeze %dma_start3A_55 : memref<1x112xi32, #tpu.memory_space<vmem>> -> memref<112xi32, #tpu.memory_space<vmem>>
    %dma_start3A_57 = tpu.memref_slice %arg3[%add3A_48] : memref<50000xi32, #tpu.memory_space<hbm>> -> memref<112xi32, #tpu.memory_space<hbm>>
    tpu.enqueue_dma source(%dma_start3A_57 : memref<112xi32, #tpu.memory_space<hbm>>) target(%dma_start3A_56 : memref<112xi32, #tpu.memory_space<vmem>>) target_semaphore(%arg8 : memref<!tpu.dma_semaphore, #tpu.memory_space<semaphore_mem>>)
    %add3A_58 = arith.constant 560 : i32
    %add3A_59 = arith.addi %min3A_3, %add3A_58 : i32
    %dma_start3A_60 = arith.constant 5 : i32
    %dma_start3A_61 = arith.constant 0 : i32
    %dma_start3A_62 = tpu.memref_slice %arg6[%dma_start3A_60, %dma_start3A_61] : memref<14x112xi32, #tpu.memory_space<vmem>> -> memref<1x112xi32, #tpu.memory_space<vmem>>
    %dma_start3A_63 = tpu.memref_squeeze %dma_start3A_62 : memref<1x112xi32, #tpu.memory_space<vmem>> -> memref<112xi32, #tpu.memory_space<vmem>>
    %dma_start3A_64 = tpu.memref_slice %arg3[%add3A_59] : memref<50000xi32, #tpu.memory_space<hbm>> -> memref<112xi32, #tpu.memory_space<hbm>>
    %dma_start3A_65 = arith.constant 0 : i32
    %dma_start3A_66 = tpu.memref_slice %arg6[%dma_start3A_60, %dma_start3A_65] : memref<14x112xi32, #tpu.memory_space<vmem>> -> memref<1x112xi32, #tpu.memory_space<vmem>>
    %dma_start3A_67 = tpu.memref_squeeze %dma_start3A_66 : memref<1x112xi32, #tpu.memory_space<vmem>> -> memref<112xi32, #tpu.memory_space<vmem>>
    %dma_start3A_68 = tpu.memref_slice %arg3[%add3A_59] : memref<50000xi32, #tpu.memory_space<hbm>> -> memref<112xi32, #tpu.memory_space<hbm>>
    tpu.enqueue_dma source(%dma_start3A_68 : memref<112xi32, #tpu.memory_space<hbm>>) target(%dma_start3A_67 : memref<112xi32, #tpu.memory_space<vmem>>) target_semaphore(%arg8 : memref<!tpu.dma_semaphore, #tpu.memory_space<semaphore_mem>>)
    %add3A_69 = arith.constant 672 : i32
    %add3A_70 = arith.addi %min3A_3, %add3A_69 : i32
    %dma_start3A_71 = arith.constant 6 : i32
    %dma_start3A_72 = arith.constant 0 : i32
    %dma_start3A_73 = tpu.memref_slice %arg6[%dma_start3A_71, %dma_start3A_72] : memref<14x112xi32, #tpu.memory_space<vmem>> -> memref<1x112xi32, #tpu.memory_space<vmem>>
    %dma_start3A_74 = tpu.memref_squeeze %dma_start3A_73 : memref<1x112xi32, #tpu.memory_space<vmem>> -> memref<112xi32, #tpu.memory_space<vmem>>
    %dma_start3A_75 = tpu.memref_slice %arg3[%add3A_70] : memref<50000xi32, #tpu.memory_space<hbm>> -> memref<112xi32, #tpu.memory_space<hbm>>
    %dma_start3A_76 = arith.constant 0 : i32
    %dma_start3A_77 = tpu.memref_slice %arg6[%dma_start3A_71, %dma_start3A_76] : memref<14x112xi32, #tpu.memory_space<vmem>> -> memref<1x112xi32, #tpu.memory_space<vmem>>
    %dma_start3A_78 = tpu.memref_squeeze %dma_start3A_77 : memref<1x112xi32, #tpu.memory_space<vmem>> -> memref<112xi32, #tpu.memory_space<vmem>>
    %dma_start3A_79 = tpu.memref_slice %arg3[%add3A_70] : memref<50000xi32, #tpu.memory_space<hbm>> -> memref<112xi32, #tpu.memory_space<hbm>>
    tpu.enqueue_dma source(%dma_start3A_79 : memref<112xi32, #tpu.memory_space<hbm>>) target(%dma_start3A_78 : memref<112xi32, #tpu.memory_space<vmem>>) target_semaphore(%arg8 : memref<!tpu.dma_semaphore, #tpu.memory_space<semaphore_mem>>)
    %add3A_80 = arith.constant 784 : i32
    %add3A_81 = arith.addi %min3A_3, %add3A_80 : i32
    %dma_start3A_82 = arith.constant 7 : i32
    %dma_start3A_83 = arith.constant 0 : i32
    %dma_start3A_84 = tpu.memref_slice %arg6[%dma_start3A_82, %dma_start3A_83] : memref<14x112xi32, #tpu.memory_space<vmem>> -> memref<1x112xi32, #tpu.memory_space<vmem>>
    %dma_start3A_85 = tpu.memref_squeeze %dma_start3A_84 : memref<1x112xi32, #tpu.memory_space<vmem>> -> memref<112xi32, #tpu.memory_space<vmem>>
    %dma_start3A_86 = tpu.memref_slice %arg3[%add3A_81] : memref<50000xi32, #tpu.memory_space<hbm>> -> memref<112xi32, #tpu.memory_space<hbm>>
    %dma_start3A_87 = arith.constant 0 : i32
    %dma_start3A_88 = tpu.memref_slice %arg6[%dma_start3A_82, %dma_start3A_87] : memref<14x112xi32, #tpu.memory_space<vmem>> -> memref<1x112xi32, #tpu.memory_space<vmem>>
    %dma_start3A_89 = tpu.memref_squeeze %dma_start3A_88 : memref<1x112xi32, #tpu.memory_space<vmem>> -> memref<112xi32, #tpu.memory_space<vmem>>
    %dma_start3A_90 = tpu.memref_slice %arg3[%add3A_81] : memref<50000xi32, #tpu.memory_space<hbm>> -> memref<112xi32, #tpu.memory_space<hbm>>
    tpu.enqueue_dma source(%dma_start3A_90 : memref<112xi32, #tpu.memory_space<hbm>>) target(%dma_start3A_89 : memref<112xi32, #tpu.memory_space<vmem>>) target_semaphore(%arg8 : memref<!tpu.dma_semaphore, #tpu.memory_space<semaphore_mem>>)
    %add3A_91 = arith.constant 896 : i32
    %add3A_92 = arith.addi %min3A_3, %add3A_91 : i32
    %dma_start3A_93 = arith.constant 8 : i32
    %dma_start3A_94 = arith.constant 0 : i32
    %dma_start3A_95 = tpu.memref_slice %arg6[%dma_start3A_93, %dma_start3A_94] : memref<14x112xi32, #tpu.memory_space<vmem>> -> memref<1x112xi32, #tpu.memory_space<vmem>>
    %dma_start3A_96 = tpu.memref_squeeze %dma_start3A_95 : memref<1x112xi32, #tpu.memory_space<vmem>> -> memref<112xi32, #tpu.memory_space<vmem>>
    %dma_start3A_97 = tpu.memref_slice %arg3[%add3A_92] : memref<50000xi32, #tpu.memory_space<hbm>> -> memref<112xi32, #tpu.memory_space<hbm>>
    %dma_start3A_98 = arith.constant 0 : i32
    %dma_start3A_99 = tpu.memref_slice %arg6[%dma_start3A_93, %dma_start3A_98] : memref<14x112xi32, #tpu.memory_space<vmem>> -> memref<1x112xi32, #tpu.memory_space<vmem>>
    %dma_start3A_100 = tpu.memref_squeeze %dma_start3A_99 : memref<1x112xi32, #tpu.memory_space<vmem>> -> memref<112xi32, #tpu.memory_space<vmem>>
    %dma_start3A_101 = tpu.memref_slice %arg3[%add3A_92] : memref<50000xi32, #tpu.memory_space<hbm>> -> memref<112xi32, #tpu.memory_space<hbm>>
    tpu.enqueue_dma source(%dma_start3A_101 : memref<112xi32, #tpu.memory_space<hbm>>) target(%dma_start3A_100 : memref<112xi32, #tpu.memory_space<vmem>>) target_semaphore(%arg8 : memref<!tpu.dma_semaphore, #tpu.memory_space<semaphore_mem>>)
    %add3A_102 = arith.constant 1008 : i32
    %add3A_103 = arith.addi %min3A_3, %add3A_102 : i32
    %dma_start3A_104 = arith.constant 9 : i32
    %dma_start3A_105 = arith.constant 0 : i32
    %dma_start3A_106 = tpu.memref_slice %arg6[%dma_start3A_104, %dma_start3A_105] : memref<14x112xi32, #tpu.memory_space<vmem>> -> memref<1x112xi32, #tpu.memory_space<vmem>>
    %dma_start3A_107 = tpu.memref_squeeze %dma_start3A_106 : memref<1x112xi32, #tpu.memory_space<vmem>> -> memref<112xi32, #tpu.memory_space<vmem>>
    %dma_start3A_108 = tpu.memref_slice %arg3[%add3A_103] : memref<50000xi32, #tpu.memory_space<hbm>> -> memref<112xi32, #tpu.memory_space<hbm>>
    %dma_start3A_109 = arith.constant 0 : i32
    %dma_start3A_110 = tpu.memref_slice %arg6[%dma_start3A_104, %dma_start3A_109] : memref<14x112xi32, #tpu.memory_space<vmem>> -> memref<1x112xi32, #tpu.memory_space<vmem>>
    %dma_start3A_111 = tpu.memref_squeeze %dma_start3A_110 : memref<1x112xi32, #tpu.memory_space<vmem>> -> memref<112xi32, #tpu.memory_space<vmem>>
    %dma_start3A_112 = tpu.memref_slice %arg3[%add3A_103] : memref<50000xi32, #tpu.memory_space<hbm>> -> memref<112xi32, #tpu.memory_space<hbm>>
    tpu.enqueue_dma source(%dma_start3A_112 : memref<112xi32, #tpu.memory_space<hbm>>) target(%dma_start3A_111 : memref<112xi32, #tpu.memory_space<vmem>>) target_semaphore(%arg8 : memref<!tpu.dma_semaphore, #tpu.memory_space<semaphore_mem>>)
    %add3A_113 = arith.constant 1120 : i32
    %add3A_114 = arith.addi %min3A_3, %add3A_113 : i32
    %dma_start3A_115 = arith.constant 10 : i32
    %dma_start3A_116 = arith.constant 0 : i32
    %dma_start3A_117 = tpu.memref_slice %arg6[%dma_start3A_115, %dma_start3A_116] : memref<14x112xi32, #tpu.memory_space<vmem>> -> memref<1x112xi32, #tpu.memory_space<vmem>>
    %dma_start3A_118 = tpu.memref_squeeze %dma_start3A_117 : memref<1x112xi32, #tpu.memory_space<vmem>> -> memref<112xi32, #tpu.memory_space<vmem>>
    %dma_start3A_119 = tpu.memref_slice %arg3[%add3A_114] : memref<50000xi32, #tpu.memory_space<hbm>> -> memref<112xi32, #tpu.memory_space<hbm>>
    %dma_start3A_120 = arith.constant 0 : i32
    %dma_start3A_121 = tpu.memref_slice %arg6[%dma_start3A_115, %dma_start3A_120] : memref<14x112xi32, #tpu.memory_space<vmem>> -> memref<1x112xi32, #tpu.memory_space<vmem>>
    %dma_start3A_122 = tpu.memref_squeeze %dma_start3A_121 : memref<1x112xi32, #tpu.memory_space<vmem>> -> memref<112xi32, #tpu.memory_space<vmem>>
    %dma_start3A_123 = tpu.memref_slice %arg3[%add3A_114] : memref<50000xi32, #tpu.memory_space<hbm>> -> memref<112xi32, #tpu.memory_space<hbm>>
    tpu.enqueue_dma source(%dma_start3A_123 : memref<112xi32, #tpu.memory_space<hbm>>) target(%dma_start3A_122 : memref<112xi32, #tpu.memory_space<vmem>>) target_semaphore(%arg8 : memref<!tpu.dma_semaphore, #tpu.memory_space<semaphore_mem>>)
    %add3A_124 = arith.constant 1232 : i32
    %add3A_125 = arith.addi %min3A_3, %add3A_124 : i32
    %dma_start3A_126 = arith.constant 11 : i32
    %dma_start3A_127 = arith.constant 0 : i32
    %dma_start3A_128 = tpu.memref_slice %arg6[%dma_start3A_126, %dma_start3A_127] : memref<14x112xi32, #tpu.memory_space<vmem>> -> memref<1x112xi32, #tpu.memory_space<vmem>>
    %dma_start3A_129 = tpu.memref_squeeze %dma_start3A_128 : memref<1x112xi32, #tpu.memory_space<vmem>> -> memref<112xi32, #tpu.memory_space<vmem>>
    %dma_start3A_130 = tpu.memref_slice %arg3[%add3A_125] : memref<50000xi32, #tpu.memory_space<hbm>> -> memref<112xi32, #tpu.memory_space<hbm>>
    %dma_start3A_131 = arith.constant 0 : i32
    %dma_start3A_132 = tpu.memref_slice %arg6[%dma_start3A_126, %dma_start3A_131] : memref<14x112xi32, #tpu.memory_space<vmem>> -> memref<1x112xi32, #tpu.memory_space<vmem>>
    %dma_start3A_133 = tpu.memref_squeeze %dma_start3A_132 : memref<1x112xi32, #tpu.memory_space<vmem>> -> memref<112xi32, #tpu.memory_space<vmem>>
    %dma_start3A_134 = tpu.memref_slice %arg3[%add3A_125] : memref<50000xi32, #tpu.memory_space<hbm>> -> memref<112xi32, #tpu.memory_space<hbm>>
    tpu.enqueue_dma source(%dma_start3A_134 : memref<112xi32, #tpu.memory_space<hbm>>) target(%dma_start3A_133 : memref<112xi32, #tpu.memory_space<vmem>>) target_semaphore(%arg8 : memref<!tpu.dma_semaphore, #tpu.memory_space<semaphore_mem>>)
    %add3A_135 = arith.constant 1344 : i32
    %add3A_136 = arith.addi %min3A_3, %add3A_135 : i32
    %dma_start3A_137 = arith.constant 12 : i32
    %dma_start3A_138 = arith.constant 0 : i32
    %dma_start3A_139 = tpu.memref_slice %arg6[%dma_start3A_137, %dma_start3A_138] : memref<14x112xi32, #tpu.memory_space<vmem>> -> memref<1x112xi32, #tpu.memory_space<vmem>>
    %dma_start3A_140 = tpu.memref_squeeze %dma_start3A_139 : memref<1x112xi32, #tpu.memory_space<vmem>> -> memref<112xi32, #tpu.memory_space<vmem>>
    %dma_start3A_141 = tpu.memref_slice %arg3[%add3A_136] : memref<50000xi32, #tpu.memory_space<hbm>> -> memref<112xi32, #tpu.memory_space<hbm>>
    %dma_start3A_142 = arith.constant 0 : i32
    %dma_start3A_143 = tpu.memref_slice %arg6[%dma_start3A_137, %dma_start3A_142] : memref<14x112xi32, #tpu.memory_space<vmem>> -> memref<1x112xi32, #tpu.memory_space<vmem>>
    %dma_start3A_144 = tpu.memref_squeeze %dma_start3A_143 : memref<1x112xi32, #tpu.memory_space<vmem>> -> memref<112xi32, #tpu.memory_space<vmem>>
    %dma_start3A_145 = tpu.memref_slice %arg3[%add3A_136] : memref<50000xi32, #tpu.memory_space<hbm>> -> memref<112xi32, #tpu.memory_space<hbm>>
    tpu.enqueue_dma source(%dma_start3A_145 : memref<112xi32, #tpu.memory_space<hbm>>) target(%dma_start3A_144 : memref<112xi32, #tpu.memory_space<vmem>>) target_semaphore(%arg8 : memref<!tpu.dma_semaphore, #tpu.memory_space<semaphore_mem>>)
    %add3A_146 = arith.constant 1456 : i32
    %add3A_147 = arith.addi %min3A_3, %add3A_146 : i32
    %dma_start3A_148 = arith.constant 13 : i32
    %dma_start3A_149 = arith.constant 0 : i32
    %dma_start3A_150 = tpu.memref_slice %arg6[%dma_start3A_148, %dma_start3A_149] : memref<14x112xi32, #tpu.memory_space<vmem>> -> memref<1x112xi32, #tpu.memory_space<vmem>>
    %dma_start3A_151 = tpu.memref_squeeze %dma_start3A_150 : memref<1x112xi32, #tpu.memory_space<vmem>> -> memref<112xi32, #tpu.memory_space<vmem>>
    %dma_start3A_152 = tpu.memref_slice %arg3[%add3A_147] : memref<50000xi32, #tpu.memory_space<hbm>> -> memref<112xi32, #tpu.memory_space<hbm>>
    %dma_start3A_153 = arith.constant 0 : i32
    %dma_start3A_154 = tpu.memref_slice %arg6[%dma_start3A_148, %dma_start3A_153] : memref<14x112xi32, #tpu.memory_space<vmem>> -> memref<1x112xi32, #tpu.memory_space<vmem>>
    %dma_start3A_155 = tpu.memref_squeeze %dma_start3A_154 : memref<1x112xi32, #tpu.memory_space<vmem>> -> memref<112xi32, #tpu.memory_space<vmem>>
    %dma_start3A_156 = tpu.memref_slice %arg3[%add3A_147] : memref<50000xi32, #tpu.memory_space<hbm>> -> memref<112xi32, #tpu.memory_space<hbm>>
    tpu.enqueue_dma source(%dma_start3A_156 : memref<112xi32, #tpu.memory_space<hbm>>) target(%dma_start3A_155 : memref<112xi32, #tpu.memory_space<vmem>>) target_semaphore(%arg8 : memref<!tpu.dma_semaphore, #tpu.memory_space<semaphore_mem>>)
    %add3A_157 = arith.constant 0 : i32
    %add3A_158 = arith.addi %min3A_3, %add3A_157 : i32
    %dma_start3A_159 = arith.constant 0 : i32
    %dma_start3A_160 = arith.constant 0 : i32
    %dma_start3A_161 = arith.constant 0 : i32
    %dma_start3A_162 = tpu.memref_slice %arg7[%dma_start3A_159, %dma_start3A_160, %dma_start3A_161] : memref<6x112x128xf32, #tpu.memory_space<vmem>> -> memref<1x112x128xf32, #tpu.memory_space<vmem>>
    %dma_start3A_163 = tpu.memref_squeeze %dma_start3A_162 : memref<1x112x128xf32, #tpu.memory_space<vmem>> -> memref<112x128xf32, #tpu.memory_space<vmem>>
    %dma_start3A_164 = arith.constant 0 : i32
    %dma_start3A_165 = tpu.memref_slice %arg2[%add3A_158, %dma_start3A_164] : memref<50000x128xf32, #tpu.memory_space<hbm>> -> memref<112x128xf32, #tpu.memory_space<hbm>>
    %dma_start3A_166 = arith.constant 0 : i32
    %dma_start3A_167 = arith.constant 0 : i32
    %dma_start3A_168 = tpu.memref_slice %arg7[%dma_start3A_159, %dma_start3A_166, %dma_start3A_167] : memref<6x112x128xf32, #tpu.memory_space<vmem>> -> memref<1x112x128xf32, #tpu.memory_space<vmem>>
    %dma_start3A_169 = tpu.memref_squeeze %dma_start3A_168 : memref<1x112x128xf32, #tpu.memory_space<vmem>> -> memref<112x128xf32, #tpu.memory_space<vmem>>
    %dma_start3A_170 = arith.constant 0 : i32
    %dma_start3A_171 = tpu.memref_slice %arg2[%add3A_158, %dma_start3A_170] : memref<50000x128xf32, #tpu.memory_space<hbm>> -> memref<112x128xf32, #tpu.memory_space<hbm>>
    tpu.enqueue_dma source(%dma_start3A_171 : memref<112x128xf32, #tpu.memory_space<hbm>>) target(%dma_start3A_169 : memref<112x128xf32, #tpu.memory_space<vmem>>) target_semaphore(%arg9 : memref<!tpu.dma_semaphore, #tpu.memory_space<semaphore_mem>>)
    %add3A_172 = arith.constant 112 : i32
    %add3A_173 = arith.addi %min3A_3, %add3A_172 : i32
    %dma_start3A_174 = arith.constant 1 : i32
    %dma_start3A_175 = arith.constant 0 : i32
    %dma_start3A_176 = arith.constant 0 : i32
    %dma_start3A_177 = tpu.memref_slice %arg7[%dma_start3A_174, %dma_start3A_175, %dma_start3A_176] : memref<6x112x128xf32, #tpu.memory_space<vmem>> -> memref<1x112x128xf32, #tpu.memory_space<vmem>>
    %dma_start3A_178 = tpu.memref_squeeze %dma_start3A_177 : memref<1x112x128xf32, #tpu.memory_space<vmem>> -> memref<112x128xf32, #tpu.memory_space<vmem>>
    %dma_start3A_179 = arith.constant 0 : i32
    %dma_start3A_180 = tpu.memref_slice %arg2[%add3A_173, %dma_start3A_179] : memref<50000x128xf32, #tpu.memory_space<hbm>> -> memref<112x128xf32, #tpu.memory_space<hbm>>
    %dma_start3A_181 = arith.constant 0 : i32
    %dma_start3A_182 = arith.constant 0 : i32
    %dma_start3A_183 = tpu.memref_slice %arg7[%dma_start3A_174, %dma_start3A_181, %dma_start3A_182] : memref<6x112x128xf32, #tpu.memory_space<vmem>> -> memref<1x112x128xf32, #tpu.memory_space<vmem>>
    %dma_start3A_184 = tpu.memref_squeeze %dma_start3A_183 : memref<1x112x128xf32, #tpu.memory_space<vmem>> -> memref<112x128xf32, #tpu.memory_space<vmem>>
    %dma_start3A_185 = arith.constant 0 : i32
    %dma_start3A_186 = tpu.memref_slice %arg2[%add3A_173, %dma_start3A_185] : memref<50000x128xf32, #tpu.memory_space<hbm>> -> memref<112x128xf32, #tpu.memory_space<hbm>>
    tpu.enqueue_dma source(%dma_start3A_186 : memref<112x128xf32, #tpu.memory_space<hbm>>) target(%dma_start3A_184 : memref<112x128xf32, #tpu.memory_space<vmem>>) target_semaphore(%arg10 : memref<!tpu.dma_semaphore, #tpu.memory_space<semaphore_mem>>)
    %dma_wait3A = arith.constant 0 : i32
    %dma_wait3A_187 = arith.constant 0 : i32
    %dma_wait3A_188 = tpu.memref_slice %arg6[%dma_wait3A, %dma_wait3A_187] : memref<14x112xi32, #tpu.memory_space<vmem>> -> memref<1x112xi32, #tpu.memory_space<vmem>>
    %dma_wait3A_189 = tpu.memref_squeeze %dma_wait3A_188 : memref<1x112xi32, #tpu.memory_space<vmem>> -> memref<112xi32, #tpu.memory_space<vmem>>
    %dma_wait3A_190 = tpu.memref_slice %arg3[%add3A_5] : memref<50000xi32, #tpu.memory_space<hbm>> -> memref<112xi32, #tpu.memory_space<hbm>>
    %dma_wait3A_191 = arith.constant 0 : i32
    %dma_wait3A_192 = tpu.memref_slice %arg6[%dma_wait3A, %dma_wait3A_191] : memref<14x112xi32, #tpu.memory_space<vmem>> -> memref<1x112xi32, #tpu.memory_space<vmem>>
    %dma_wait3A_193 = tpu.memref_squeeze %dma_wait3A_192 : memref<1x112xi32, #tpu.memory_space<vmem>> -> memref<112xi32, #tpu.memory_space<vmem>>
    %dma_wait3A_194 = tpu.memref_slice %arg3[%add3A_5] : memref<50000xi32, #tpu.memory_space<hbm>> -> memref<112xi32, #tpu.memory_space<hbm>>
    tpu.wait_dma2 semaphore(%arg8 : memref<!tpu.dma_semaphore, #tpu.memory_space<semaphore_mem>>) src(%dma_wait3A_194 : memref<112xi32, #tpu.memory_space<hbm>>) dst(%dma_wait3A_193 : memref<112xi32, #tpu.memory_space<vmem>>)
    %dma_wait3A_195 = arith.constant 1 : i32
    %dma_wait3A_196 = arith.constant 0 : i32
    %dma_wait3A_197 = tpu.memref_slice %arg6[%dma_wait3A_195, %dma_wait3A_196] : memref<14x112xi32, #tpu.memory_space<vmem>> -> memref<1x112xi32, #tpu.memory_space<vmem>>
    %dma_wait3A_198 = tpu.memref_squeeze %dma_wait3A_197 : memref<1x112xi32, #tpu.memory_space<vmem>> -> memref<112xi32, #tpu.memory_space<vmem>>
    %dma_wait3A_199 = tpu.memref_slice %arg3[%add3A_15] : memref<50000xi32, #tpu.memory_space<hbm>> -> memref<112xi32, #tpu.memory_space<hbm>>
    %dma_wait3A_200 = arith.constant 0 : i32
    %dma_wait3A_201 = tpu.memref_slice %arg6[%dma_wait3A_195, %dma_wait3A_200] : memref<14x112xi32, #tpu.memory_space<vmem>> -> memref<1x112xi32, #tpu.memory_space<vmem>>
    %dma_wait3A_202 = tpu.memref_squeeze %dma_wait3A_201 : memref<1x112xi32, #tpu.memory_space<vmem>> -> memref<112xi32, #tpu.memory_space<vmem>>
    %dma_wait3A_203 = tpu.memref_slice %arg3[%add3A_15] : memref<50000xi32, #tpu.memory_space<hbm>> -> memref<112xi32, #tpu.memory_space<hbm>>
    tpu.wait_dma2 semaphore(%arg8 : memref<!tpu.dma_semaphore, #tpu.memory_space<semaphore_mem>>) src(%dma_wait3A_203 : memref<112xi32, #tpu.memory_space<hbm>>) dst(%dma_wait3A_202 : memref<112xi32, #tpu.memory_space<vmem>>)
    %dma_wait3A_204 = arith.constant 2 : i32
    %dma_wait3A_205 = arith.constant 0 : i32
    %dma_wait3A_206 = tpu.memref_slice %arg6[%dma_wait3A_204, %dma_wait3A_205] : memref<14x112xi32, #tpu.memory_space<vmem>> -> memref<1x112xi32, #tpu.memory_space<vmem>>
    %dma_wait3A_207 = tpu.memref_squeeze %dma_wait3A_206 : memref<1x112xi32, #tpu.memory_space<vmem>> -> memref<112xi32, #tpu.memory_space<vmem>>
    %dma_wait3A_208 = tpu.memref_slice %arg3[%add3A_26] : memref<50000xi32, #tpu.memory_space<hbm>> -> memref<112xi32, #tpu.memory_space<hbm>>
    %dma_wait3A_209 = arith.constant 0 : i32
    %dma_wait3A_210 = tpu.memref_slice %arg6[%dma_wait3A_204, %dma_wait3A_209] : memref<14x112xi32, #tpu.memory_space<vmem>> -> memref<1x112xi32, #tpu.memory_space<vmem>>
    %dma_wait3A_211 = tpu.memref_squeeze %dma_wait3A_210 : memref<1x112xi32, #tpu.memory_space<vmem>> -> memref<112xi32, #tpu.memory_space<vmem>>
    %dma_wait3A_212 = tpu.memref_slice %arg3[%add3A_26] : memref<50000xi32, #tpu.memory_space<hbm>> -> memref<112xi32, #tpu.memory_space<hbm>>
    tpu.wait_dma2 semaphore(%arg8 : memref<!tpu.dma_semaphore, #tpu.memory_space<semaphore_mem>>) src(%dma_wait3A_212 : memref<112xi32, #tpu.memory_space<hbm>>) dst(%dma_wait3A_211 : memref<112xi32, #tpu.memory_space<vmem>>)
    %dma_wait3A_213 = arith.constant 3 : i32
    %dma_wait3A_214 = arith.constant 0 : i32
    %dma_wait3A_215 = tpu.memref_slice %arg6[%dma_wait3A_213, %dma_wait3A_214] : memref<14x112xi32, #tpu.memory_space<vmem>> -> memref<1x112xi32, #tpu.memory_space<vmem>>
    %dma_wait3A_216 = tpu.memref_squeeze %dma_wait3A_215 : memref<1x112xi32, #tpu.memory_space<vmem>> -> memref<112xi32, #tpu.memory_space<vmem>>
    %dma_wait3A_217 = tpu.memref_slice %arg3[%add3A_37] : memref<50000xi32, #tpu.memory_space<hbm>> -> memref<112xi32, #tpu.memory_space<hbm>>
    %dma_wait3A_218 = arith.constant 0 : i32
    %dma_wait3A_219 = tpu.memref_slice %arg6[%dma_wait3A_213, %dma_wait3A_218] : memref<14x112xi32, #tpu.memory_space<vmem>> -> memref<1x112xi32, #tpu.memory_space<vmem>>
    %dma_wait3A_220 = tpu.memref_squeeze %dma_wait3A_219 : memref<1x112xi32, #tpu.memory_space<vmem>> -> memref<112xi32, #tpu.memory_space<vmem>>
    %dma_wait3A_221 = tpu.memref_slice %arg3[%add3A_37] : memref<50000xi32, #tpu.memory_space<hbm>> -> memref<112xi32, #tpu.memory_space<hbm>>
    tpu.wait_dma2 semaphore(%arg8 : memref<!tpu.dma_semaphore, #tpu.memory_space<semaphore_mem>>) src(%dma_wait3A_221 : memref<112xi32, #tpu.memory_space<hbm>>) dst(%dma_wait3A_220 : memref<112xi32, #tpu.memory_space<vmem>>)
    %dma_wait3A_222 = arith.constant 4 : i32
    %dma_wait3A_223 = arith.constant 0 : i32
    %dma_wait3A_224 = tpu.memref_slice %arg6[%dma_wait3A_222, %dma_wait3A_223] : memref<14x112xi32, #tpu.memory_space<vmem>> -> memref<1x112xi32, #tpu.memory_space<vmem>>
    %dma_wait3A_225 = tpu.memref_squeeze %dma_wait3A_224 : memref<1x112xi32, #tpu.memory_space<vmem>> -> memref<112xi32, #tpu.memory_space<vmem>>
    %dma_wait3A_226 = tpu.memref_slice %arg3[%add3A_48] : memref<50000xi32, #tpu.memory_space<hbm>> -> memref<112xi32, #tpu.memory_space<hbm>>
    %dma_wait3A_227 = arith.constant 0 : i32
    %dma_wait3A_228 = tpu.memref_slice %arg6[%dma_wait3A_222, %dma_wait3A_227] : memref<14x112xi32, #tpu.memory_space<vmem>> -> memref<1x112xi32, #tpu.memory_space<vmem>>
    %dma_wait3A_229 = tpu.memref_squeeze %dma_wait3A_228 : memref<1x112xi32, #tpu.memory_space<vmem>> -> memref<112xi32, #tpu.memory_space<vmem>>
    %dma_wait3A_230 = tpu.memref_slice %arg3[%add3A_48] : memref<50000xi32, #tpu.memory_space<hbm>> -> memref<112xi32, #tpu.memory_space<hbm>>
    tpu.wait_dma2 semaphore(%arg8 : memref<!tpu.dma_semaphore, #tpu.memory_space<semaphore_mem>>) src(%dma_wait3A_230 : memref<112xi32, #tpu.memory_space<hbm>>) dst(%dma_wait3A_229 : memref<112xi32, #tpu.memory_space<vmem>>)
    %dma_wait3A_231 = arith.constant 5 : i32
    %dma_wait3A_232 = arith.constant 0 : i32
    %dma_wait3A_233 = tpu.memref_slice %arg6[%dma_wait3A_231, %dma_wait3A_232] : memref<14x112xi32, #tpu.memory_space<vmem>> -> memref<1x112xi32, #tpu.memory_space<vmem>>
    %dma_wait3A_234 = tpu.memref_squeeze %dma_wait3A_233 : memref<1x112xi32, #tpu.memory_space<vmem>> -> memref<112xi32, #tpu.memory_space<vmem>>
    %dma_wait3A_235 = tpu.memref_slice %arg3[%add3A_59] : memref<50000xi32, #tpu.memory_space<hbm>> -> memref<112xi32, #tpu.memory_space<hbm>>
    %dma_wait3A_236 = arith.constant 0 : i32
    %dma_wait3A_237 = tpu.memref_slice %arg6[%dma_wait3A_231, %dma_wait3A_236] : memref<14x112xi32, #tpu.memory_space<vmem>> -> memref<1x112xi32, #tpu.memory_space<vmem>>
    %dma_wait3A_238 = tpu.memref_squeeze %dma_wait3A_237 : memref<1x112xi32, #tpu.memory_space<vmem>> -> memref<112xi32, #tpu.memory_space<vmem>>
    %dma_wait3A_239 = tpu.memref_slice %arg3[%add3A_59] : memref<50000xi32, #tpu.memory_space<hbm>> -> memref<112xi32, #tpu.memory_space<hbm>>
    tpu.wait_dma2 semaphore(%arg8 : memref<!tpu.dma_semaphore, #tpu.memory_space<semaphore_mem>>) src(%dma_wait3A_239 : memref<112xi32, #tpu.memory_space<hbm>>) dst(%dma_wait3A_238 : memref<112xi32, #tpu.memory_space<vmem>>)
    %dma_wait3A_240 = arith.constant 6 : i32
    %dma_wait3A_241 = arith.constant 0 : i32
    %dma_wait3A_242 = tpu.memref_slice %arg6[%dma_wait3A_240, %dma_wait3A_241] : memref<14x112xi32, #tpu.memory_space<vmem>> -> memref<1x112xi32, #tpu.memory_space<vmem>>
    %dma_wait3A_243 = tpu.memref_squeeze %dma_wait3A_242 : memref<1x112xi32, #tpu.memory_space<vmem>> -> memref<112xi32, #tpu.memory_space<vmem>>
    %dma_wait3A_244 = tpu.memref_slice %arg3[%add3A_70] : memref<50000xi32, #tpu.memory_space<hbm>> -> memref<112xi32, #tpu.memory_space<hbm>>
    %dma_wait3A_245 = arith.constant 0 : i32
    %dma_wait3A_246 = tpu.memref_slice %arg6[%dma_wait3A_240, %dma_wait3A_245] : memref<14x112xi32, #tpu.memory_space<vmem>> -> memref<1x112xi32, #tpu.memory_space<vmem>>
    %dma_wait3A_247 = tpu.memref_squeeze %dma_wait3A_246 : memref<1x112xi32, #tpu.memory_space<vmem>> -> memref<112xi32, #tpu.memory_space<vmem>>
    %dma_wait3A_248 = tpu.memref_slice %arg3[%add3A_70] : memref<50000xi32, #tpu.memory_space<hbm>> -> memref<112xi32, #tpu.memory_space<hbm>>
    tpu.wait_dma2 semaphore(%arg8 : memref<!tpu.dma_semaphore, #tpu.memory_space<semaphore_mem>>) src(%dma_wait3A_248 : memref<112xi32, #tpu.memory_space<hbm>>) dst(%dma_wait3A_247 : memref<112xi32, #tpu.memory_space<vmem>>)
    %dma_wait3A_249 = arith.constant 7 : i32
    %dma_wait3A_250 = arith.constant 0 : i32
    %dma_wait3A_251 = tpu.memref_slice %arg6[%dma_wait3A_249, %dma_wait3A_250] : memref<14x112xi32, #tpu.memory_space<vmem>> -> memref<1x112xi32, #tpu.memory_space<vmem>>
    %dma_wait3A_252 = tpu.memref_squeeze %dma_wait3A_251 : memref<1x112xi32, #tpu.memory_space<vmem>> -> memref<112xi32, #tpu.memory_space<vmem>>
    %dma_wait3A_253 = tpu.memref_slice %arg3[%add3A_81] : memref<50000xi32, #tpu.memory_space<hbm>> -> memref<112xi32, #tpu.memory_space<hbm>>
    %dma_wait3A_254 = arith.constant 0 : i32
    %dma_wait3A_255 = tpu.memref_slice %arg6[%dma_wait3A_249, %dma_wait3A_254] : memref<14x112xi32, #tpu.memory_space<vmem>> -> memref<1x112xi32, #tpu.memory_space<vmem>>
    %dma_wait3A_256 = tpu.memref_squeeze %dma_wait3A_255 : memref<1x112xi32, #tpu.memory_space<vmem>> -> memref<112xi32, #tpu.memory_space<vmem>>
    %dma_wait3A_257 = tpu.memref_slice %arg3[%add3A_81] : memref<50000xi32, #tpu.memory_space<hbm>> -> memref<112xi32, #tpu.memory_space<hbm>>
    tpu.wait_dma2 semaphore(%arg8 : memref<!tpu.dma_semaphore, #tpu.memory_space<semaphore_mem>>) src(%dma_wait3A_257 : memref<112xi32, #tpu.memory_space<hbm>>) dst(%dma_wait3A_256 : memref<112xi32, #tpu.memory_space<vmem>>)
    %dma_wait3A_258 = arith.constant 8 : i32
    %dma_wait3A_259 = arith.constant 0 : i32
    %dma_wait3A_260 = tpu.memref_slice %arg6[%dma_wait3A_258, %dma_wait3A_259] : memref<14x112xi32, #tpu.memory_space<vmem>> -> memref<1x112xi32, #tpu.memory_space<vmem>>
    %dma_wait3A_261 = tpu.memref_squeeze %dma_wait3A_260 : memref<1x112xi32, #tpu.memory_space<vmem>> -> memref<112xi32, #tpu.memory_space<vmem>>
    %dma_wait3A_262 = tpu.memref_slice %arg3[%add3A_92] : memref<50000xi32, #tpu.memory_space<hbm>> -> memref<112xi32, #tpu.memory_space<hbm>>
    %dma_wait3A_263 = arith.constant 0 : i32
    %dma_wait3A_264 = tpu.memref_slice %arg6[%dma_wait3A_258, %dma_wait3A_263] : memref<14x112xi32, #tpu.memory_space<vmem>> -> memref<1x112xi32, #tpu.memory_space<vmem>>
    %dma_wait3A_265 = tpu.memref_squeeze %dma_wait3A_264 : memref<1x112xi32, #tpu.memory_space<vmem>> -> memref<112xi32, #tpu.memory_space<vmem>>
    %dma_wait3A_266 = tpu.memref_slice %arg3[%add3A_92] : memref<50000xi32, #tpu.memory_space<hbm>> -> memref<112xi32, #tpu.memory_space<hbm>>
    tpu.wait_dma2 semaphore(%arg8 : memref<!tpu.dma_semaphore, #tpu.memory_space<semaphore_mem>>) src(%dma_wait3A_266 : memref<112xi32, #tpu.memory_space<hbm>>) dst(%dma_wait3A_265 : memref<112xi32, #tpu.memory_space<vmem>>)
    %dma_wait3A_267 = arith.constant 9 : i32
    %dma_wait3A_268 = arith.constant 0 : i32
    %dma_wait3A_269 = tpu.memref_slice %arg6[%dma_wait3A_267, %dma_wait3A_268] : memref<14x112xi32, #tpu.memory_space<vmem>> -> memref<1x112xi32, #tpu.memory_space<vmem>>
    %dma_wait3A_270 = tpu.memref_squeeze %dma_wait3A_269 : memref<1x112xi32, #tpu.memory_space<vmem>> -> memref<112xi32, #tpu.memory_space<vmem>>
    %dma_wait3A_271 = tpu.memref_slice %arg3[%add3A_103] : memref<50000xi32, #tpu.memory_space<hbm>> -> memref<112xi32, #tpu.memory_space<hbm>>
    %dma_wait3A_272 = arith.constant 0 : i32
    %dma_wait3A_273 = tpu.memref_slice %arg6[%dma_wait3A_267, %dma_wait3A_272] : memref<14x112xi32, #tpu.memory_space<vmem>> -> memref<1x112xi32, #tpu.memory_space<vmem>>
    %dma_wait3A_274 = tpu.memref_squeeze %dma_wait3A_273 : memref<1x112xi32, #tpu.memory_space<vmem>> -> memref<112xi32, #tpu.memory_space<vmem>>
    %dma_wait3A_275 = tpu.memref_slice %arg3[%add3A_103] : memref<50000xi32, #tpu.memory_space<hbm>> -> memref<112xi32, #tpu.memory_space<hbm>>
    tpu.wait_dma2 semaphore(%arg8 : memref<!tpu.dma_semaphore, #tpu.memory_space<semaphore_mem>>) src(%dma_wait3A_275 : memref<112xi32, #tpu.memory_space<hbm>>) dst(%dma_wait3A_274 : memref<112xi32, #tpu.memory_space<vmem>>)
    %dma_wait3A_276 = arith.constant 10 : i32
    %dma_wait3A_277 = arith.constant 0 : i32
    %dma_wait3A_278 = tpu.memref_slice %arg6[%dma_wait3A_276, %dma_wait3A_277] : memref<14x112xi32, #tpu.memory_space<vmem>> -> memref<1x112xi32, #tpu.memory_space<vmem>>
    %dma_wait3A_279 = tpu.memref_squeeze %dma_wait3A_278 : memref<1x112xi32, #tpu.memory_space<vmem>> -> memref<112xi32, #tpu.memory_space<vmem>>
    %dma_wait3A_280 = tpu.memref_slice %arg3[%add3A_114] : memref<50000xi32, #tpu.memory_space<hbm>> -> memref<112xi32, #tpu.memory_space<hbm>>
    %dma_wait3A_281 = arith.constant 0 : i32
    %dma_wait3A_282 = tpu.memref_slice %arg6[%dma_wait3A_276, %dma_wait3A_281] : memref<14x112xi32, #tpu.memory_space<vmem>> -> memref<1x112xi32, #tpu.memory_space<vmem>>
    %dma_wait3A_283 = tpu.memref_squeeze %dma_wait3A_282 : memref<1x112xi32, #tpu.memory_space<vmem>> -> memref<112xi32, #tpu.memory_space<vmem>>
    %dma_wait3A_284 = tpu.memref_slice %arg3[%add3A_114] : memref<50000xi32, #tpu.memory_space<hbm>> -> memref<112xi32, #tpu.memory_space<hbm>>
    tpu.wait_dma2 semaphore(%arg8 : memref<!tpu.dma_semaphore, #tpu.memory_space<semaphore_mem>>) src(%dma_wait3A_284 : memref<112xi32, #tpu.memory_space<hbm>>) dst(%dma_wait3A_283 : memref<112xi32, #tpu.memory_space<vmem>>)
    %dma_wait3A_285 = arith.constant 11 : i32
    %dma_wait3A_286 = arith.constant 0 : i32
    %dma_wait3A_287 = tpu.memref_slice %arg6[%dma_wait3A_285, %dma_wait3A_286] : memref<14x112xi32, #tpu.memory_space<vmem>> -> memref<1x112xi32, #tpu.memory_space<vmem>>
    %dma_wait3A_288 = tpu.memref_squeeze %dma_wait3A_287 : memref<1x112xi32, #tpu.memory_space<vmem>> -> memref<112xi32, #tpu.memory_space<vmem>>
    %dma_wait3A_289 = tpu.memref_slice %arg3[%add3A_125] : memref<50000xi32, #tpu.memory_space<hbm>> -> memref<112xi32, #tpu.memory_space<hbm>>
    %dma_wait3A_290 = arith.constant 0 : i32
    %dma_wait3A_291 = tpu.memref_slice %arg6[%dma_wait3A_285, %dma_wait3A_290] : memref<14x112xi32, #tpu.memory_space<vmem>> -> memref<1x112xi32, #tpu.memory_space<vmem>>
    %dma_wait3A_292 = tpu.memref_squeeze %dma_wait3A_291 : memref<1x112xi32, #tpu.memory_space<vmem>> -> memref<112xi32, #tpu.memory_space<vmem>>
    %dma_wait3A_293 = tpu.memref_slice %arg3[%add3A_125] : memref<50000xi32, #tpu.memory_space<hbm>> -> memref<112xi32, #tpu.memory_space<hbm>>
    tpu.wait_dma2 semaphore(%arg8 : memref<!tpu.dma_semaphore, #tpu.memory_space<semaphore_mem>>) src(%dma_wait3A_293 : memref<112xi32, #tpu.memory_space<hbm>>) dst(%dma_wait3A_292 : memref<112xi32, #tpu.memory_space<vmem>>)
    %dma_wait3A_294 = arith.constant 12 : i32
    %dma_wait3A_295 = arith.constant 0 : i32
    %dma_wait3A_296 = tpu.memref_slice %arg6[%dma_wait3A_294, %dma_wait3A_295] : memref<14x112xi32, #tpu.memory_space<vmem>> -> memref<1x112xi32, #tpu.memory_space<vmem>>
    %dma_wait3A_297 = tpu.memref_squeeze %dma_wait3A_296 : memref<1x112xi32, #tpu.memory_space<vmem>> -> memref<112xi32, #tpu.memory_space<vmem>>
    %dma_wait3A_298 = tpu.memref_slice %arg3[%add3A_136] : memref<50000xi32, #tpu.memory_space<hbm>> -> memref<112xi32, #tpu.memory_space<hbm>>
    %dma_wait3A_299 = arith.constant 0 : i32
    %dma_wait3A_300 = tpu.memref_slice %arg6[%dma_wait3A_294, %dma_wait3A_299] : memref<14x112xi32, #tpu.memory_space<vmem>> -> memref<1x112xi32, #tpu.memory_space<vmem>>
    %dma_wait3A_301 = tpu.memref_squeeze %dma_wait3A_300 : memref<1x112xi32, #tpu.memory_space<vmem>> -> memref<112xi32, #tpu.memory_space<vmem>>
    %dma_wait3A_302 = tpu.memref_slice %arg3[%add3A_136] : memref<50000xi32, #tpu.memory_space<hbm>> -> memref<112xi32, #tpu.memory_space<hbm>>
    tpu.wait_dma2 semaphore(%arg8 : memref<!tpu.dma_semaphore, #tpu.memory_space<semaphore_mem>>) src(%dma_wait3A_302 : memref<112xi32, #tpu.memory_space<hbm>>) dst(%dma_wait3A_301 : memref<112xi32, #tpu.memory_space<vmem>>)
    %dma_wait3A_303 = arith.constant 13 : i32
    %dma_wait3A_304 = arith.constant 0 : i32
    %dma_wait3A_305 = tpu.memref_slice %arg6[%dma_wait3A_303, %dma_wait3A_304] : memref<14x112xi32, #tpu.memory_space<vmem>> -> memref<1x112xi32, #tpu.memory_space<vmem>>
    %dma_wait3A_306 = tpu.memref_squeeze %dma_wait3A_305 : memref<1x112xi32, #tpu.memory_space<vmem>> -> memref<112xi32, #tpu.memory_space<vmem>>
    %dma_wait3A_307 = tpu.memref_slice %arg3[%add3A_147] : memref<50000xi32, #tpu.memory_space<hbm>> -> memref<112xi32, #tpu.memory_space<hbm>>
    %dma_wait3A_308 = arith.constant 0 : i32
    %dma_wait3A_309 = tpu.memref_slice %arg6[%dma_wait3A_303, %dma_wait3A_308] : memref<14x112xi32, #tpu.memory_space<vmem>> -> memref<1x112xi32, #tpu.memory_space<vmem>>
    %dma_wait3A_310 = tpu.memref_squeeze %dma_wait3A_309 : memref<1x112xi32, #tpu.memory_space<vmem>> -> memref<112xi32, #tpu.memory_space<vmem>>
    %dma_wait3A_311 = tpu.memref_slice %arg3[%add3A_147] : memref<50000xi32, #tpu.memory_space<hbm>> -> memref<112xi32, #tpu.memory_space<hbm>>
    tpu.wait_dma2 semaphore(%arg8 : memref<!tpu.dma_semaphore, #tpu.memory_space<semaphore_mem>>) src(%dma_wait3A_311 : memref<112xi32, #tpu.memory_space<hbm>>) dst(%dma_wait3A_310 : memref<112xi32, #tpu.memory_space<vmem>>)
    %add3A_312 = arith.constant 224 : i32
    %add3A_313 = arith.addi %min3A_3, %add3A_312 : i32
    %dma_start3A_314 = arith.constant 2 : i32
    %dma_start3A_315 = arith.constant 0 : i32
    %dma_start3A_316 = arith.constant 0 : i32
    %dma_start3A_317 = tpu.memref_slice %arg7[%dma_start3A_314, %dma_start3A_315, %dma_start3A_316] : memref<6x112x128xf32, #tpu.memory_space<vmem>> -> memref<1x112x128xf32, #tpu.memory_space<vmem>>
    %dma_start3A_318 = tpu.memref_squeeze %dma_start3A_317 : memref<1x112x128xf32, #tpu.memory_space<vmem>> -> memref<112x128xf32, #tpu.memory_space<vmem>>
    %dma_start3A_319 = arith.constant 0 : i32
    %dma_start3A_320 = tpu.memref_slice %arg2[%add3A_313, %dma_start3A_319] : memref<50000x128xf32, #tpu.memory_space<hbm>> -> memref<112x128xf32, #tpu.memory_space<hbm>>
    %dma_start3A_321 = arith.constant 0 : i32
    %dma_start3A_322 = arith.constant 0 : i32
    %dma_start3A_323 = tpu.memref_slice %arg7[%dma_start3A_314, %dma_start3A_321, %dma_start3A_322] : memref<6x112x128xf32, #tpu.memory_space<vmem>> -> memref<1x112x128xf32, #tpu.memory_space<vmem>>
    %dma_start3A_324 = tpu.memref_squeeze %dma_start3A_323 : memref<1x112x128xf32, #tpu.memory_space<vmem>> -> memref<112x128xf32, #tpu.memory_space<vmem>>
    %dma_start3A_325 = arith.constant 0 : i32
    %dma_start3A_326 = tpu.memref_slice %arg2[%add3A_313, %dma_start3A_325] : memref<50000x128xf32, #tpu.memory_space<hbm>> -> memref<112x128xf32, #tpu.memory_space<hbm>>
    tpu.enqueue_dma source(%dma_start3A_326 : memref<112x128xf32, #tpu.memory_space<hbm>>) target(%dma_start3A_324 : memref<112x128xf32, #tpu.memory_space<vmem>>) target_semaphore(%arg11 : memref<!tpu.dma_semaphore, #tpu.memory_space<semaphore_mem>>)
    %dma_wait3A_327 = arith.constant 0 : i32
    %dma_wait3A_328 = arith.constant 0 : i32
    %dma_wait3A_329 = arith.constant 0 : i32
    %dma_wait3A_330 = tpu.memref_slice %arg7[%dma_wait3A_327, %dma_wait3A_328, %dma_wait3A_329] : memref<6x112x128xf32, #tpu.memory_space<vmem>> -> memref<1x112x128xf32, #tpu.memory_space<vmem>>
    %dma_wait3A_331 = tpu.memref_squeeze %dma_wait3A_330 : memref<1x112x128xf32, #tpu.memory_space<vmem>> -> memref<112x128xf32, #tpu.memory_space<vmem>>
    %dma_wait3A_332 = arith.constant 0 : i32
    %dma_wait3A_333 = tpu.memref_slice %arg2[%add3A_158, %dma_wait3A_332] : memref<50000x128xf32, #tpu.memory_space<hbm>> -> memref<112x128xf32, #tpu.memory_space<hbm>>
    %dma_wait3A_334 = arith.constant 0 : i32
    %dma_wait3A_335 = arith.constant 0 : i32
    %dma_wait3A_336 = tpu.memref_slice %arg7[%dma_wait3A_327, %dma_wait3A_334, %dma_wait3A_335] : memref<6x112x128xf32, #tpu.memory_space<vmem>> -> memref<1x112x128xf32, #tpu.memory_space<vmem>>
    %dma_wait3A_337 = tpu.memref_squeeze %dma_wait3A_336 : memref<1x112x128xf32, #tpu.memory_space<vmem>> -> memref<112x128xf32, #tpu.memory_space<vmem>>
    %dma_wait3A_338 = arith.constant 0 : i32
    %dma_wait3A_339 = tpu.memref_slice %arg2[%add3A_158, %dma_wait3A_338] : memref<50000x128xf32, #tpu.memory_space<hbm>> -> memref<112x128xf32, #tpu.memory_space<hbm>>
    tpu.wait_dma2 semaphore(%arg9 : memref<!tpu.dma_semaphore, #tpu.memory_space<semaphore_mem>>) src(%dma_wait3A_339 : memref<112x128xf32, #tpu.memory_space<hbm>>) dst(%dma_wait3A_337 : memref<112x128xf32, #tpu.memory_space<vmem>>)
    %dma_start3A_340 = arith.constant 0 : i32
    %dma_start3A_341 = arith.constant 0 : i32
    %dma_start3A_342 = arith.constant 0 : i32
    %dma_start3A_343 = arith.constant 0 : i32
    %dma_start3A_344 = tpu.memref_slice %arg7[%dma_start3A_340, %dma_start3A_342, %dma_start3A_343] : memref<6x112x128xf32, #tpu.memory_space<vmem>> -> memref<1x112x128xf32, #tpu.memory_space<vmem>>
    %dma_start3A_345 = tpu.memref_squeeze %dma_start3A_344 : memref<1x112x128xf32, #tpu.memory_space<vmem>> -> memref<112x128xf32, #tpu.memory_space<vmem>>
    %dma_start3A_346 = arith.constant 0 : i32
    %dma_start3A_347 = tpu.memref_slice %arg6[%dma_start3A_341, %dma_start3A_346] : memref<14x112xi32, #tpu.memory_space<vmem>> -> memref<1x112xi32, #tpu.memory_space<vmem>>
    %dma_start3A_348 = tpu.memref_squeeze %dma_start3A_347 : memref<1x112xi32, #tpu.memory_space<vmem>> -> memref<112xi32, #tpu.memory_space<vmem>>
    %dma_start3A_349 = arith.constant 0 : i32
    %dma_start3A_350 = arith.constant 0 : i32
    %dma_start3A_351 = tpu.memref_slice %arg4[%dma_start3A_349, %dma_start3A_350] : memref<100000x128xf32, #tpu.memory_space<hbm>> -> memref<100000x128xf32, #tpu.memory_space<hbm>>
    tpu.enqueue_indirect_dma source(%dma_start3A_345 : memref<112x128xf32, #tpu.memory_space<vmem>>) target(%dma_start3A_351 : memref<100000x128xf32, #tpu.memory_space<hbm>>) offsets(%dma_start3A_348 : memref<112xi32, #tpu.memory_space<vmem>>) semaphore(%arg15 : memref<!tpu.dma_semaphore, #tpu.memory_space<semaphore_mem>>)
    %add3A_352 = arith.constant 336 : i32
    %add3A_353 = arith.addi %min3A_3, %add3A_352 : i32
    %dma_start3A_354 = arith.constant 3 : i32
    %dma_start3A_355 = arith.constant 0 : i32
    %dma_start3A_356 = arith.constant 0 : i32
    %dma_start3A_357 = tpu.memref_slice %arg7[%dma_start3A_354, %dma_start3A_355, %dma_start3A_356] : memref<6x112x128xf32, #tpu.memory_space<vmem>> -> memref<1x112x128xf32, #tpu.memory_space<vmem>>
    %dma_start3A_358 = tpu.memref_squeeze %dma_start3A_357 : memref<1x112x128xf32, #tpu.memory_space<vmem>> -> memref<112x128xf32, #tpu.memory_space<vmem>>
    %dma_start3A_359 = arith.constant 0 : i32
    %dma_start3A_360 = tpu.memref_slice %arg2[%add3A_353, %dma_start3A_359] : memref<50000x128xf32, #tpu.memory_space<hbm>> -> memref<112x128xf32, #tpu.memory_space<hbm>>
    %dma_start3A_361 = arith.constant 0 : i32
    %dma_start3A_362 = arith.constant 0 : i32
    %dma_start3A_363 = tpu.memref_slice %arg7[%dma_start3A_354, %dma_start3A_361, %dma_start3A_362] : memref<6x112x128xf32, #tpu.memory_space<vmem>> -> memref<1x112x128xf32, #tpu.memory_space<vmem>>
    %dma_start3A_364 = tpu.memref_squeeze %dma_start3A_363 : memref<1x112x128xf32, #tpu.memory_space<vmem>> -> memref<112x128xf32, #tpu.memory_space<vmem>>
    %dma_start3A_365 = arith.constant 0 : i32
    %dma_start3A_366 = tpu.memref_slice %arg2[%add3A_353, %dma_start3A_365] : memref<50000x128xf32, #tpu.memory_space<hbm>> -> memref<112x128xf32, #tpu.memory_space<hbm>>
    tpu.enqueue_dma source(%dma_start3A_366 : memref<112x128xf32, #tpu.memory_space<hbm>>) target(%dma_start3A_364 : memref<112x128xf32, #tpu.memory_space<vmem>>) target_semaphore(%arg12 : memref<!tpu.dma_semaphore, #tpu.memory_space<semaphore_mem>>)
    %dma_wait3A_367 = arith.constant 1 : i32
    %dma_wait3A_368 = arith.constant 0 : i32
    %dma_wait3A_369 = arith.constant 0 : i32
    %dma_wait3A_370 = tpu.memref_slice %arg7[%dma_wait3A_367, %dma_wait3A_368, %dma_wait3A_369] : memref<6x112x128xf32, #tpu.memory_space<vmem>> -> memref<1x112x128xf32, #tpu.memory_space<vmem>>
    %dma_wait3A_371 = tpu.memref_squeeze %dma_wait3A_370 : memref<1x112x128xf32, #tpu.memory_space<vmem>> -> memref<112x128xf32, #tpu.memory_space<vmem>>
    %dma_wait3A_372 = arith.constant 0 : i32
    %dma_wait3A_373 = tpu.memref_slice %arg2[%add3A_173, %dma_wait3A_372] : memref<50000x128xf32, #tpu.memory_space<hbm>> -> memref<112x128xf32, #tpu.memory_space<hbm>>
    %dma_wait3A_374 = arith.constant 0 : i32
    %dma_wait3A_375 = arith.constant 0 : i32
    %dma_wait3A_376 = tpu.memref_slice %arg7[%dma_wait3A_367, %dma_wait3A_374, %dma_wait3A_375] : memref<6x112x128xf32, #tpu.memory_space<vmem>> -> memref<1x112x128xf32, #tpu.memory_space<vmem>>
    %dma_wait3A_377 = tpu.memref_squeeze %dma_wait3A_376 : memref<1x112x128xf32, #tpu.memory_space<vmem>> -> memref<112x128xf32, #tpu.memory_space<vmem>>
    %dma_wait3A_378 = arith.constant 0 : i32
    %dma_wait3A_379 = tpu.memref_slice %arg2[%add3A_173, %dma_wait3A_378] : memref<50000x128xf32, #tpu.memory_space<hbm>> -> memref<112x128xf32, #tpu.memory_space<hbm>>
    tpu.wait_dma2 semaphore(%arg10 : memref<!tpu.dma_semaphore, #tpu.memory_space<semaphore_mem>>) src(%dma_wait3A_379 : memref<112x128xf32, #tpu.memory_space<hbm>>) dst(%dma_wait3A_377 : memref<112x128xf32, #tpu.memory_space<vmem>>)
    %dma_start3A_380 = arith.constant 1 : i32
    %dma_start3A_381 = arith.constant 1 : i32
    %dma_start3A_382 = arith.constant 0 : i32
    %dma_start3A_383 = arith.constant 0 : i32
    %dma_start3A_384 = tpu.memref_slice %arg7[%dma_start3A_380, %dma_start3A_382, %dma_start3A_383] : memref<6x112x128xf32, #tpu.memory_space<vmem>> -> memref<1x112x128xf32, #tpu.memory_space<vmem>>
    %dma_start3A_385 = tpu.memref_squeeze %dma_start3A_384 : memref<1x112x128xf32, #tpu.memory_space<vmem>> -> memref<112x128xf32, #tpu.memory_space<vmem>>
    %dma_start3A_386 = arith.constant 0 : i32
    %dma_start3A_387 = tpu.memref_slice %arg6[%dma_start3A_381, %dma_start3A_386] : memref<14x112xi32, #tpu.memory_space<vmem>> -> memref<1x112xi32, #tpu.memory_space<vmem>>
    %dma_start3A_388 = tpu.memref_squeeze %dma_start3A_387 : memref<1x112xi32, #tpu.memory_space<vmem>> -> memref<112xi32, #tpu.memory_space<vmem>>
    %dma_start3A_389 = arith.constant 0 : i32
    %dma_start3A_390 = arith.constant 0 : i32
    %dma_start3A_391 = tpu.memref_slice %arg4[%dma_start3A_389, %dma_start3A_390] : memref<100000x128xf32, #tpu.memory_space<hbm>> -> memref<100000x128xf32, #tpu.memory_space<hbm>>
    tpu.enqueue_indirect_dma source(%dma_start3A_385 : memref<112x128xf32, #tpu.memory_space<vmem>>) target(%dma_start3A_391 : memref<100000x128xf32, #tpu.memory_space<hbm>>) offsets(%dma_start3A_388 : memref<112xi32, #tpu.memory_space<vmem>>) semaphore(%arg16 : memref<!tpu.dma_semaphore, #tpu.memory_space<semaphore_mem>>)
    %add3A_392 = arith.constant 448 : i32
    %add3A_393 = arith.addi %min3A_3, %add3A_392 : i32
    %dma_start3A_394 = arith.constant 4 : i32
    %dma_start3A_395 = arith.constant 0 : i32
    %dma_start3A_396 = arith.constant 0 : i32
    %dma_start3A_397 = tpu.memref_slice %arg7[%dma_start3A_394, %dma_start3A_395, %dma_start3A_396] : memref<6x112x128xf32, #tpu.memory_space<vmem>> -> memref<1x112x128xf32, #tpu.memory_space<vmem>>
    %dma_start3A_398 = tpu.memref_squeeze %dma_start3A_397 : memref<1x112x128xf32, #tpu.memory_space<vmem>> -> memref<112x128xf32, #tpu.memory_space<vmem>>
    %dma_start3A_399 = arith.constant 0 : i32
    %dma_start3A_400 = tpu.memref_slice %arg2[%add3A_393, %dma_start3A_399] : memref<50000x128xf32, #tpu.memory_space<hbm>> -> memref<112x128xf32, #tpu.memory_space<hbm>>
    %dma_start3A_401 = arith.constant 0 : i32
    %dma_start3A_402 = arith.constant 0 : i32
    %dma_start3A_403 = tpu.memref_slice %arg7[%dma_start3A_394, %dma_start3A_401, %dma_start3A_402] : memref<6x112x128xf32, #tpu.memory_space<vmem>> -> memref<1x112x128xf32, #tpu.memory_space<vmem>>
    %dma_start3A_404 = tpu.memref_squeeze %dma_start3A_403 : memref<1x112x128xf32, #tpu.memory_space<vmem>> -> memref<112x128xf32, #tpu.memory_space<vmem>>
    %dma_start3A_405 = arith.constant 0 : i32
    %dma_start3A_406 = tpu.memref_slice %arg2[%add3A_393, %dma_start3A_405] : memref<50000x128xf32, #tpu.memory_space<hbm>> -> memref<112x128xf32, #tpu.memory_space<hbm>>
    tpu.enqueue_dma source(%dma_start3A_406 : memref<112x128xf32, #tpu.memory_space<hbm>>) target(%dma_start3A_404 : memref<112x128xf32, #tpu.memory_space<vmem>>) target_semaphore(%arg13 : memref<!tpu.dma_semaphore, #tpu.memory_space<semaphore_mem>>)
    %dma_wait3A_407 = arith.constant 2 : i32
    %dma_wait3A_408 = arith.constant 0 : i32
    %dma_wait3A_409 = arith.constant 0 : i32
    %dma_wait3A_410 = tpu.memref_slice %arg7[%dma_wait3A_407, %dma_wait3A_408, %dma_wait3A_409] : memref<6x112x128xf32, #tpu.memory_space<vmem>> -> memref<1x112x128xf32, #tpu.memory_space<vmem>>
    %dma_wait3A_411 = tpu.memref_squeeze %dma_wait3A_410 : memref<1x112x128xf32, #tpu.memory_space<vmem>> -> memref<112x128xf32, #tpu.memory_space<vmem>>
    %dma_wait3A_412 = arith.constant 0 : i32
    %dma_wait3A_413 = tpu.memref_slice %arg2[%add3A_313, %dma_wait3A_412] : memref<50000x128xf32, #tpu.memory_space<hbm>> -> memref<112x128xf32, #tpu.memory_space<hbm>>
    %dma_wait3A_414 = arith.constant 0 : i32
    %dma_wait3A_415 = arith.constant 0 : i32
    %dma_wait3A_416 = tpu.memref_slice %arg7[%dma_wait3A_407, %dma_wait3A_414, %dma_wait3A_415] : memref<6x112x128xf32, #tpu.memory_space<vmem>> -> memref<1x112x128xf32, #tpu.memory_space<vmem>>
    %dma_wait3A_417 = tpu.memref_squeeze %dma_wait3A_416 : memref<1x112x128xf32, #tpu.memory_space<vmem>> -> memref<112x128xf32, #tpu.memory_space<vmem>>
    %dma_wait3A_418 = arith.constant 0 : i32
    %dma_wait3A_419 = tpu.memref_slice %arg2[%add3A_313, %dma_wait3A_418] : memref<50000x128xf32, #tpu.memory_space<hbm>> -> memref<112x128xf32, #tpu.memory_space<hbm>>
    tpu.wait_dma2 semaphore(%arg11 : memref<!tpu.dma_semaphore, #tpu.memory_space<semaphore_mem>>) src(%dma_wait3A_419 : memref<112x128xf32, #tpu.memory_space<hbm>>) dst(%dma_wait3A_417 : memref<112x128xf32, #tpu.memory_space<vmem>>)
    %dma_start3A_420 = arith.constant 2 : i32
    %dma_start3A_421 = arith.constant 2 : i32
    %dma_start3A_422 = arith.constant 0 : i32
    %dma_start3A_423 = arith.constant 0 : i32
    %dma_start3A_424 = tpu.memref_slice %arg7[%dma_start3A_420, %dma_start3A_422, %dma_start3A_423] : memref<6x112x128xf32, #tpu.memory_space<vmem>> -> memref<1x112x128xf32, #tpu.memory_space<vmem>>
    %dma_start3A_425 = tpu.memref_squeeze %dma_start3A_424 : memref<1x112x128xf32, #tpu.memory_space<vmem>> -> memref<112x128xf32, #tpu.memory_space<vmem>>
    %dma_start3A_426 = arith.constant 0 : i32
    %dma_start3A_427 = tpu.memref_slice %arg6[%dma_start3A_421, %dma_start3A_426] : memref<14x112xi32, #tpu.memory_space<vmem>> -> memref<1x112xi32, #tpu.memory_space<vmem>>
    %dma_start3A_428 = tpu.memref_squeeze %dma_start3A_427 : memref<1x112xi32, #tpu.memory_space<vmem>> -> memref<112xi32, #tpu.memory_space<vmem>>
    %dma_start3A_429 = arith.constant 0 : i32
    %dma_start3A_430 = arith.constant 0 : i32
    %dma_start3A_431 = tpu.memref_slice %arg4[%dma_start3A_429, %dma_start3A_430] : memref<100000x128xf32, #tpu.memory_space<hbm>> -> memref<100000x128xf32, #tpu.memory_space<hbm>>
    tpu.enqueue_indirect_dma source(%dma_start3A_425 : memref<112x128xf32, #tpu.memory_space<vmem>>) target(%dma_start3A_431 : memref<100000x128xf32, #tpu.memory_space<hbm>>) offsets(%dma_start3A_428 : memref<112xi32, #tpu.memory_space<vmem>>) semaphore(%arg17 : memref<!tpu.dma_semaphore, #tpu.memory_space<semaphore_mem>>)
    %add3A_432 = arith.constant 560 : i32
    %add3A_433 = arith.addi %min3A_3, %add3A_432 : i32
    %dma_start3A_434 = arith.constant 5 : i32
    %dma_start3A_435 = arith.constant 0 : i32
    %dma_start3A_436 = arith.constant 0 : i32
    %dma_start3A_437 = tpu.memref_slice %arg7[%dma_start3A_434, %dma_start3A_435, %dma_start3A_436] : memref<6x112x128xf32, #tpu.memory_space<vmem>> -> memref<1x112x128xf32, #tpu.memory_space<vmem>>
    %dma_start3A_438 = tpu.memref_squeeze %dma_start3A_437 : memref<1x112x128xf32, #tpu.memory_space<vmem>> -> memref<112x128xf32, #tpu.memory_space<vmem>>
    %dma_start3A_439 = arith.constant 0 : i32
    %dma_start3A_440 = tpu.memref_slice %arg2[%add3A_433, %dma_start3A_439] : memref<50000x128xf32, #tpu.memory_space<hbm>> -> memref<112x128xf32, #tpu.memory_space<hbm>>
    %dma_start3A_441 = arith.constant 0 : i32
    %dma_start3A_442 = arith.constant 0 : i32
    %dma_start3A_443 = tpu.memref_slice %arg7[%dma_start3A_434, %dma_start3A_441, %dma_start3A_442] : memref<6x112x128xf32, #tpu.memory_space<vmem>> -> memref<1x112x128xf32, #tpu.memory_space<vmem>>
    %dma_start3A_444 = tpu.memref_squeeze %dma_start3A_443 : memref<1x112x128xf32, #tpu.memory_space<vmem>> -> memref<112x128xf32, #tpu.memory_space<vmem>>
    %dma_start3A_445 = arith.constant 0 : i32
    %dma_start3A_446 = tpu.memref_slice %arg2[%add3A_433, %dma_start3A_445] : memref<50000x128xf32, #tpu.memory_space<hbm>> -> memref<112x128xf32, #tpu.memory_space<hbm>>
    tpu.enqueue_dma source(%dma_start3A_446 : memref<112x128xf32, #tpu.memory_space<hbm>>) target(%dma_start3A_444 : memref<112x128xf32, #tpu.memory_space<vmem>>) target_semaphore(%arg14 : memref<!tpu.dma_semaphore, #tpu.memory_space<semaphore_mem>>)
    %dma_wait3A_447 = arith.constant 3 : i32
    %dma_wait3A_448 = arith.constant 0 : i32
    %dma_wait3A_449 = arith.constant 0 : i32
    %dma_wait3A_450 = tpu.memref_slice %arg7[%dma_wait3A_447, %dma_wait3A_448, %dma_wait3A_449] : memref<6x112x128xf32, #tpu.memory_space<vmem>> -> memref<1x112x128xf32, #tpu.memory_space<vmem>>
    %dma_wait3A_451 = tpu.memref_squeeze %dma_wait3A_450 : memref<1x112x128xf32, #tpu.memory_space<vmem>> -> memref<112x128xf32, #tpu.memory_space<vmem>>
    %dma_wait3A_452 = arith.constant 0 : i32
    %dma_wait3A_453 = tpu.memref_slice %arg2[%add3A_353, %dma_wait3A_452] : memref<50000x128xf32, #tpu.memory_space<hbm>> -> memref<112x128xf32, #tpu.memory_space<hbm>>
    %dma_wait3A_454 = arith.constant 0 : i32
    %dma_wait3A_455 = arith.constant 0 : i32
    %dma_wait3A_456 = tpu.memref_slice %arg7[%dma_wait3A_447, %dma_wait3A_454, %dma_wait3A_455] : memref<6x112x128xf32, #tpu.memory_space<vmem>> -> memref<1x112x128xf32, #tpu.memory_space<vmem>>
    %dma_wait3A_457 = tpu.memref_squeeze %dma_wait3A_456 : memref<1x112x128xf32, #tpu.memory_space<vmem>> -> memref<112x128xf32, #tpu.memory_space<vmem>>
    %dma_wait3A_458 = arith.constant 0 : i32
    %dma_wait3A_459 = tpu.memref_slice %arg2[%add3A_353, %dma_wait3A_458] : memref<50000x128xf32, #tpu.memory_space<hbm>> -> memref<112x128xf32, #tpu.memory_space<hbm>>
    tpu.wait_dma2 semaphore(%arg12 : memref<!tpu.dma_semaphore, #tpu.memory_space<semaphore_mem>>) src(%dma_wait3A_459 : memref<112x128xf32, #tpu.memory_space<hbm>>) dst(%dma_wait3A_457 : memref<112x128xf32, #tpu.memory_space<vmem>>)
    %dma_start3A_460 = arith.constant 3 : i32
    %dma_start3A_461 = arith.constant 3 : i32
    %dma_start3A_462 = arith.constant 0 : i32
    %dma_start3A_463 = arith.constant 0 : i32
    %dma_start3A_464 = tpu.memref_slice %arg7[%dma_start3A_460, %dma_start3A_462, %dma_start3A_463] : memref<6x112x128xf32, #tpu.memory_space<vmem>> -> memref<1x112x128xf32, #tpu.memory_space<vmem>>
    %dma_start3A_465 = tpu.memref_squeeze %dma_start3A_464 : memref<1x112x128xf32, #tpu.memory_space<vmem>> -> memref<112x128xf32, #tpu.memory_space<vmem>>
    %dma_start3A_466 = arith.constant 0 : i32
    %dma_start3A_467 = tpu.memref_slice %arg6[%dma_start3A_461, %dma_start3A_466] : memref<14x112xi32, #tpu.memory_space<vmem>> -> memref<1x112xi32, #tpu.memory_space<vmem>>
    %dma_start3A_468 = tpu.memref_squeeze %dma_start3A_467 : memref<1x112xi32, #tpu.memory_space<vmem>> -> memref<112xi32, #tpu.memory_space<vmem>>
    %dma_start3A_469 = arith.constant 0 : i32
    %dma_start3A_470 = arith.constant 0 : i32
    %dma_start3A_471 = tpu.memref_slice %arg4[%dma_start3A_469, %dma_start3A_470] : memref<100000x128xf32, #tpu.memory_space<hbm>> -> memref<100000x128xf32, #tpu.memory_space<hbm>>
    tpu.enqueue_indirect_dma source(%dma_start3A_465 : memref<112x128xf32, #tpu.memory_space<vmem>>) target(%dma_start3A_471 : memref<100000x128xf32, #tpu.memory_space<hbm>>) offsets(%dma_start3A_468 : memref<112xi32, #tpu.memory_space<vmem>>) semaphore(%arg18 : memref<!tpu.dma_semaphore, #tpu.memory_space<semaphore_mem>>)
    %dma_wait3A_472 = arith.constant 0 : i32
    %dma_wait3A_473 = arith.constant 0 : i32
    %dma_wait3A_474 = arith.constant 0 : i32
    %dma_wait3A_475 = arith.constant 0 : i32
    %dma_wait3A_476 = tpu.memref_slice %arg7[%dma_wait3A_472, %dma_wait3A_474, %dma_wait3A_475] : memref<6x112x128xf32, #tpu.memory_space<vmem>> -> memref<1x112x128xf32, #tpu.memory_space<vmem>>
    %dma_wait3A_477 = tpu.memref_squeeze %dma_wait3A_476 : memref<1x112x128xf32, #tpu.memory_space<vmem>> -> memref<112x128xf32, #tpu.memory_space<vmem>>
    %dma_wait3A_478 = arith.constant 0 : i32
    %dma_wait3A_479 = tpu.memref_slice %arg6[%dma_wait3A_473, %dma_wait3A_478] : memref<14x112xi32, #tpu.memory_space<vmem>> -> memref<1x112xi32, #tpu.memory_space<vmem>>
    %dma_wait3A_480 = tpu.memref_squeeze %dma_wait3A_479 : memref<1x112xi32, #tpu.memory_space<vmem>> -> memref<112xi32, #tpu.memory_space<vmem>>
    %dma_wait3A_481 = arith.constant 0 : i32
    %dma_wait3A_482 = arith.constant 0 : i32
    %dma_wait3A_483 = tpu.memref_slice %arg4[%dma_wait3A_481, %dma_wait3A_482] : memref<100000x128xf32, #tpu.memory_space<hbm>> -> memref<100000x128xf32, #tpu.memory_space<hbm>>
    tpu.wait_indirect_dma semaphore(%arg15 : memref<!tpu.dma_semaphore, #tpu.memory_space<semaphore_mem>>) src(%dma_wait3A_477 : memref<112x128xf32, #tpu.memory_space<vmem>>) dst(%dma_wait3A_483 : memref<100000x128xf32, #tpu.memory_space<hbm>>)
    %add3A_484 = arith.constant 672 : i32
    %add3A_485 = arith.addi %min3A_3, %add3A_484 : i32
    %dma_start3A_486 = arith.constant 0 : i32
    %dma_start3A_487 = arith.constant 0 : i32
    %dma_start3A_488 = arith.constant 0 : i32
    %dma_start3A_489 = tpu.memref_slice %arg7[%dma_start3A_486, %dma_start3A_487, %dma_start3A_488] : memref<6x112x128xf32, #tpu.memory_space<vmem>> -> memref<1x112x128xf32, #tpu.memory_space<vmem>>
    %dma_start3A_490 = tpu.memref_squeeze %dma_start3A_489 : memref<1x112x128xf32, #tpu.memory_space<vmem>> -> memref<112x128xf32, #tpu.memory_space<vmem>>
    %dma_start3A_491 = arith.constant 0 : i32
    %dma_start3A_492 = tpu.memref_slice %arg2[%add3A_485, %dma_start3A_491] : memref<50000x128xf32, #tpu.memory_space<hbm>> -> memref<112x128xf32, #tpu.memory_space<hbm>>
    %dma_start3A_493 = arith.constant 0 : i32
    %dma_start3A_494 = arith.constant 0 : i32
    %dma_start3A_495 = tpu.memref_slice %arg7[%dma_start3A_486, %dma_start3A_493, %dma_start3A_494] : memref<6x112x128xf32, #tpu.memory_space<vmem>> -> memref<1x112x128xf32, #tpu.memory_space<vmem>>
    %dma_start3A_496 = tpu.memref_squeeze %dma_start3A_495 : memref<1x112x128xf32, #tpu.memory_space<vmem>> -> memref<112x128xf32, #tpu.memory_space<vmem>>
    %dma_start3A_497 = arith.constant 0 : i32
    %dma_start3A_498 = tpu.memref_slice %arg2[%add3A_485, %dma_start3A_497] : memref<50000x128xf32, #tpu.memory_space<hbm>> -> memref<112x128xf32, #tpu.memory_space<hbm>>
    tpu.enqueue_dma source(%dma_start3A_498 : memref<112x128xf32, #tpu.memory_space<hbm>>) target(%dma_start3A_496 : memref<112x128xf32, #tpu.memory_space<vmem>>) target_semaphore(%arg9 : memref<!tpu.dma_semaphore, #tpu.memory_space<semaphore_mem>>)
    %dma_wait3A_499 = arith.constant 4 : i32
    %dma_wait3A_500 = arith.constant 0 : i32
    %dma_wait3A_501 = arith.constant 0 : i32
    %dma_wait3A_502 = tpu.memref_slice %arg7[%dma_wait3A_499, %dma_wait3A_500, %dma_wait3A_501] : memref<6x112x128xf32, #tpu.memory_space<vmem>> -> memref<1x112x128xf32, #tpu.memory_space<vmem>>
    %dma_wait3A_503 = tpu.memref_squeeze %dma_wait3A_502 : memref<1x112x128xf32, #tpu.memory_space<vmem>> -> memref<112x128xf32, #tpu.memory_space<vmem>>
    %dma_wait3A_504 = arith.constant 0 : i32
    %dma_wait3A_505 = tpu.memref_slice %arg2[%add3A_393, %dma_wait3A_504] : memref<50000x128xf32, #tpu.memory_space<hbm>> -> memref<112x128xf32, #tpu.memory_space<hbm>>
    %dma_wait3A_506 = arith.constant 0 : i32
    %dma_wait3A_507 = arith.constant 0 : i32
    %dma_wait3A_508 = tpu.memref_slice %arg7[%dma_wait3A_499, %dma_wait3A_506, %dma_wait3A_507] : memref<6x112x128xf32, #tpu.memory_space<vmem>> -> memref<1x112x128xf32, #tpu.memory_space<vmem>>
    %dma_wait3A_509 = tpu.memref_squeeze %dma_wait3A_508 : memref<1x112x128xf32, #tpu.memory_space<vmem>> -> memref<112x128xf32, #tpu.memory_space<vmem>>
    %dma_wait3A_510 = arith.constant 0 : i32
    %dma_wait3A_511 = tpu.memref_slice %arg2[%add3A_393, %dma_wait3A_510] : memref<50000x128xf32, #tpu.memory_space<hbm>> -> memref<112x128xf32, #tpu.memory_space<hbm>>
    tpu.wait_dma2 semaphore(%arg13 : memref<!tpu.dma_semaphore, #tpu.memory_space<semaphore_mem>>) src(%dma_wait3A_511 : memref<112x128xf32, #tpu.memory_space<hbm>>) dst(%dma_wait3A_509 : memref<112x128xf32, #tpu.memory_space<vmem>>)
    %dma_start3A_512 = arith.constant 4 : i32
    %dma_start3A_513 = arith.constant 4 : i32
    %dma_start3A_514 = arith.constant 0 : i32
    %dma_start3A_515 = arith.constant 0 : i32
    %dma_start3A_516 = tpu.memref_slice %arg7[%dma_start3A_512, %dma_start3A_514, %dma_start3A_515] : memref<6x112x128xf32, #tpu.memory_space<vmem>> -> memref<1x112x128xf32, #tpu.memory_space<vmem>>
    %dma_start3A_517 = tpu.memref_squeeze %dma_start3A_516 : memref<1x112x128xf32, #tpu.memory_space<vmem>> -> memref<112x128xf32, #tpu.memory_space<vmem>>
    %dma_start3A_518 = arith.constant 0 : i32
    %dma_start3A_519 = tpu.memref_slice %arg6[%dma_start3A_513, %dma_start3A_518] : memref<14x112xi32, #tpu.memory_space<vmem>> -> memref<1x112xi32, #tpu.memory_space<vmem>>
    %dma_start3A_520 = tpu.memref_squeeze %dma_start3A_519 : memref<1x112xi32, #tpu.memory_space<vmem>> -> memref<112xi32, #tpu.memory_space<vmem>>
    %dma_start3A_521 = arith.constant 0 : i32
    %dma_start3A_522 = arith.constant 0 : i32
    %dma_start3A_523 = tpu.memref_slice %arg4[%dma_start3A_521, %dma_start3A_522] : memref<100000x128xf32, #tpu.memory_space<hbm>> -> memref<100000x128xf32, #tpu.memory_space<hbm>>
    tpu.enqueue_indirect_dma source(%dma_start3A_517 : memref<112x128xf32, #tpu.memory_space<vmem>>) target(%dma_start3A_523 : memref<100000x128xf32, #tpu.memory_space<hbm>>) offsets(%dma_start3A_520 : memref<112xi32, #tpu.memory_space<vmem>>) semaphore(%arg19 : memref<!tpu.dma_semaphore, #tpu.memory_space<semaphore_mem>>)
    %dma_wait3A_524 = arith.constant 1 : i32
    %dma_wait3A_525 = arith.constant 1 : i32
    %dma_wait3A_526 = arith.constant 0 : i32
    %dma_wait3A_527 = arith.constant 0 : i32
    %dma_wait3A_528 = tpu.memref_slice %arg7[%dma_wait3A_524, %dma_wait3A_526, %dma_wait3A_527] : memref<6x112x128xf32, #tpu.memory_space<vmem>> -> memref<1x112x128xf32, #tpu.memory_space<vmem>>
    %dma_wait3A_529 = tpu.memref_squeeze %dma_wait3A_528 : memref<1x112x128xf32, #tpu.memory_space<vmem>> -> memref<112x128xf32, #tpu.memory_space<vmem>>
    %dma_wait3A_530 = arith.constant 0 : i32
    %dma_wait3A_531 = tpu.memref_slice %arg6[%dma_wait3A_525, %dma_wait3A_530] : memref<14x112xi32, #tpu.memory_space<vmem>> -> memref<1x112xi32, #tpu.memory_space<vmem>>
    %dma_wait3A_532 = tpu.memref_squeeze %dma_wait3A_531 : memref<1x112xi32, #tpu.memory_space<vmem>> -> memref<112xi32, #tpu.memory_space<vmem>>
    %dma_wait3A_533 = arith.constant 0 : i32
    %dma_wait3A_534 = arith.constant 0 : i32
    %dma_wait3A_535 = tpu.memref_slice %arg4[%dma_wait3A_533, %dma_wait3A_534] : memref<100000x128xf32, #tpu.memory_space<hbm>> -> memref<100000x128xf32, #tpu.memory_space<hbm>>
    tpu.wait_indirect_dma semaphore(%arg16 : memref<!tpu.dma_semaphore, #tpu.memory_space<semaphore_mem>>) src(%dma_wait3A_529 : memref<112x128xf32, #tpu.memory_space<vmem>>) dst(%dma_wait3A_535 : memref<100000x128xf32, #tpu.memory_space<hbm>>)
    %add3A_536 = arith.constant 784 : i32
    %add3A_537 = arith.addi %min3A_3, %add3A_536 : i32
    %dma_start3A_538 = arith.constant 1 : i32
    %dma_start3A_539 = arith.constant 0 : i32
    %dma_start3A_540 = arith.constant 0 : i32
    %dma_start3A_541 = tpu.memref_slice %arg7[%dma_start3A_538, %dma_start3A_539, %dma_start3A_540] : memref<6x112x128xf32, #tpu.memory_space<vmem>> -> memref<1x112x128xf32, #tpu.memory_space<vmem>>
    %dma_start3A_542 = tpu.memref_squeeze %dma_start3A_541 : memref<1x112x128xf32, #tpu.memory_space<vmem>> -> memref<112x128xf32, #tpu.memory_space<vmem>>
    %dma_start3A_543 = arith.constant 0 : i32
    %dma_start3A_544 = tpu.memref_slice %arg2[%add3A_537, %dma_start3A_543] : memref<50000x128xf32, #tpu.memory_space<hbm>> -> memref<112x128xf32, #tpu.memory_space<hbm>>
    %dma_start3A_545 = arith.constant 0 : i32
    %dma_start3A_546 = arith.constant 0 : i32
    %dma_start3A_547 = tpu.memref_slice %arg7[%dma_start3A_538, %dma_start3A_545, %dma_start3A_546] : memref<6x112x128xf32, #tpu.memory_space<vmem>> -> memref<1x112x128xf32, #tpu.memory_space<vmem>>
    %dma_start3A_548 = tpu.memref_squeeze %dma_start3A_547 : memref<1x112x128xf32, #tpu.memory_space<vmem>> -> memref<112x128xf32, #tpu.memory_space<vmem>>
    %dma_start3A_549 = arith.constant 0 : i32
    %dma_start3A_550 = tpu.memref_slice %arg2[%add3A_537, %dma_start3A_549] : memref<50000x128xf32, #tpu.memory_space<hbm>> -> memref<112x128xf32, #tpu.memory_space<hbm>>
    tpu.enqueue_dma source(%dma_start3A_550 : memref<112x128xf32, #tpu.memory_space<hbm>>) target(%dma_start3A_548 : memref<112x128xf32, #tpu.memory_space<vmem>>) target_semaphore(%arg10 : memref<!tpu.dma_semaphore, #tpu.memory_space<semaphore_mem>>)
    %dma_wait3A_551 = arith.constant 5 : i32
    %dma_wait3A_552 = arith.constant 0 : i32
    %dma_wait3A_553 = arith.constant 0 : i32
    %dma_wait3A_554 = tpu.memref_slice %arg7[%dma_wait3A_551, %dma_wait3A_552, %dma_wait3A_553] : memref<6x112x128xf32, #tpu.memory_space<vmem>> -> memref<1x112x128xf32, #tpu.memory_space<vmem>>
    %dma_wait3A_555 = tpu.memref_squeeze %dma_wait3A_554 : memref<1x112x128xf32, #tpu.memory_space<vmem>> -> memref<112x128xf32, #tpu.memory_space<vmem>>
    %dma_wait3A_556 = arith.constant 0 : i32
    %dma_wait3A_557 = tpu.memref_slice %arg2[%add3A_433, %dma_wait3A_556] : memref<50000x128xf32, #tpu.memory_space<hbm>> -> memref<112x128xf32, #tpu.memory_space<hbm>>
    %dma_wait3A_558 = arith.constant 0 : i32
    %dma_wait3A_559 = arith.constant 0 : i32
    %dma_wait3A_560 = tpu.memref_slice %arg7[%dma_wait3A_551, %dma_wait3A_558, %dma_wait3A_559] : memref<6x112x128xf32, #tpu.memory_space<vmem>> -> memref<1x112x128xf32, #tpu.memory_space<vmem>>
    %dma_wait3A_561 = tpu.memref_squeeze %dma_wait3A_560 : memref<1x112x128xf32, #tpu.memory_space<vmem>> -> memref<112x128xf32, #tpu.memory_space<vmem>>
    %dma_wait3A_562 = arith.constant 0 : i32
    %dma_wait3A_563 = tpu.memref_slice %arg2[%add3A_433, %dma_wait3A_562] : memref<50000x128xf32, #tpu.memory_space<hbm>> -> memref<112x128xf32, #tpu.memory_space<hbm>>
    tpu.wait_dma2 semaphore(%arg14 : memref<!tpu.dma_semaphore, #tpu.memory_space<semaphore_mem>>) src(%dma_wait3A_563 : memref<112x128xf32, #tpu.memory_space<hbm>>) dst(%dma_wait3A_561 : memref<112x128xf32, #tpu.memory_space<vmem>>)
    %dma_start3A_564 = arith.constant 5 : i32
    %dma_start3A_565 = arith.constant 5 : i32
    %dma_start3A_566 = arith.constant 0 : i32
    %dma_start3A_567 = arith.constant 0 : i32
    %dma_start3A_568 = tpu.memref_slice %arg7[%dma_start3A_564, %dma_start3A_566, %dma_start3A_567] : memref<6x112x128xf32, #tpu.memory_space<vmem>> -> memref<1x112x128xf32, #tpu.memory_space<vmem>>
    %dma_start3A_569 = tpu.memref_squeeze %dma_start3A_568 : memref<1x112x128xf32, #tpu.memory_space<vmem>> -> memref<112x128xf32, #tpu.memory_space<vmem>>
    %dma_start3A_570 = arith.constant 0 : i32
    %dma_start3A_571 = tpu.memref_slice %arg6[%dma_start3A_565, %dma_start3A_570] : memref<14x112xi32, #tpu.memory_space<vmem>> -> memref<1x112xi32, #tpu.memory_space<vmem>>
    %dma_start3A_572 = tpu.memref_squeeze %dma_start3A_571 : memref<1x112xi32, #tpu.memory_space<vmem>> -> memref<112xi32, #tpu.memory_space<vmem>>
    %dma_start3A_573 = arith.constant 0 : i32
    %dma_start3A_574 = arith.constant 0 : i32
    %dma_start3A_575 = tpu.memref_slice %arg4[%dma_start3A_573, %dma_start3A_574] : memref<100000x128xf32, #tpu.memory_space<hbm>> -> memref<100000x128xf32, #tpu.memory_space<hbm>>
    tpu.enqueue_indirect_dma source(%dma_start3A_569 : memref<112x128xf32, #tpu.memory_space<vmem>>) target(%dma_start3A_575 : memref<100000x128xf32, #tpu.memory_space<hbm>>) offsets(%dma_start3A_572 : memref<112xi32, #tpu.memory_space<vmem>>) semaphore(%arg20 : memref<!tpu.dma_semaphore, #tpu.memory_space<semaphore_mem>>)
    %dma_wait3A_576 = arith.constant 2 : i32
    %dma_wait3A_577 = arith.constant 2 : i32
    %dma_wait3A_578 = arith.constant 0 : i32
    %dma_wait3A_579 = arith.constant 0 : i32
    %dma_wait3A_580 = tpu.memref_slice %arg7[%dma_wait3A_576, %dma_wait3A_578, %dma_wait3A_579] : memref<6x112x128xf32, #tpu.memory_space<vmem>> -> memref<1x112x128xf32, #tpu.memory_space<vmem>>
    %dma_wait3A_581 = tpu.memref_squeeze %dma_wait3A_580 : memref<1x112x128xf32, #tpu.memory_space<vmem>> -> memref<112x128xf32, #tpu.memory_space<vmem>>
    %dma_wait3A_582 = arith.constant 0 : i32
    %dma_wait3A_583 = tpu.memref_slice %arg6[%dma_wait3A_577, %dma_wait3A_582] : memref<14x112xi32, #tpu.memory_space<vmem>> -> memref<1x112xi32, #tpu.memory_space<vmem>>
    %dma_wait3A_584 = tpu.memref_squeeze %dma_wait3A_583 : memref<1x112xi32, #tpu.memory_space<vmem>> -> memref<112xi32, #tpu.memory_space<vmem>>
    %dma_wait3A_585 = arith.constant 0 : i32
    %dma_wait3A_586 = arith.constant 0 : i32
    %dma_wait3A_587 = tpu.memref_slice %arg4[%dma_wait3A_585, %dma_wait3A_586] : memref<100000x128xf32, #tpu.memory_space<hbm>> -> memref<100000x128xf32, #tpu.memory_space<hbm>>
    tpu.wait_indirect_dma semaphore(%arg17 : memref<!tpu.dma_semaphore, #tpu.memory_space<semaphore_mem>>) src(%dma_wait3A_581 : memref<112x128xf32, #tpu.memory_space<vmem>>) dst(%dma_wait3A_587 : memref<100000x128xf32, #tpu.memory_space<hbm>>)
    %add3A_588 = arith.constant 896 : i32
    %add3A_589 = arith.addi %min3A_3, %add3A_588 : i32
    %dma_start3A_590 = arith.constant 2 : i32
    %dma_start3A_591 = arith.constant 0 : i32
    %dma_start3A_592 = arith.constant 0 : i32
    %dma_start3A_593 = tpu.memref_slice %arg7[%dma_start3A_590, %dma_start3A_591, %dma_start3A_592] : memref<6x112x128xf32, #tpu.memory_space<vmem>> -> memref<1x112x128xf32, #tpu.memory_space<vmem>>
    %dma_start3A_594 = tpu.memref_squeeze %dma_start3A_593 : memref<1x112x128xf32, #tpu.memory_space<vmem>> -> memref<112x128xf32, #tpu.memory_space<vmem>>
    %dma_start3A_595 = arith.constant 0 : i32
    %dma_start3A_596 = tpu.memref_slice %arg2[%add3A_589, %dma_start3A_595] : memref<50000x128xf32, #tpu.memory_space<hbm>> -> memref<112x128xf32, #tpu.memory_space<hbm>>
    %dma_start3A_597 = arith.constant 0 : i32
    %dma_start3A_598 = arith.constant 0 : i32
    %dma_start3A_599 = tpu.memref_slice %arg7[%dma_start3A_590, %dma_start3A_597, %dma_start3A_598] : memref<6x112x128xf32, #tpu.memory_space<vmem>> -> memref<1x112x128xf32, #tpu.memory_space<vmem>>
    %dma_start3A_600 = tpu.memref_squeeze %dma_start3A_599 : memref<1x112x128xf32, #tpu.memory_space<vmem>> -> memref<112x128xf32, #tpu.memory_space<vmem>>
    %dma_start3A_601 = arith.constant 0 : i32
    %dma_start3A_602 = tpu.memref_slice %arg2[%add3A_589, %dma_start3A_601] : memref<50000x128xf32, #tpu.memory_space<hbm>> -> memref<112x128xf32, #tpu.memory_space<hbm>>
    tpu.enqueue_dma source(%dma_start3A_602 : memref<112x128xf32, #tpu.memory_space<hbm>>) target(%dma_start3A_600 : memref<112x128xf32, #tpu.memory_space<vmem>>) target_semaphore(%arg11 : memref<!tpu.dma_semaphore, #tpu.memory_space<semaphore_mem>>)
    %dma_wait3A_603 = arith.constant 0 : i32
    %dma_wait3A_604 = arith.constant 0 : i32
    %dma_wait3A_605 = arith.constant 0 : i32
    %dma_wait3A_606 = tpu.memref_slice %arg7[%dma_wait3A_603, %dma_wait3A_604, %dma_wait3A_605] : memref<6x112x128xf32, #tpu.memory_space<vmem>> -> memref<1x112x128xf32, #tpu.memory_space<vmem>>
    %dma_wait3A_607 = tpu.memref_squeeze %dma_wait3A_606 : memref<1x112x128xf32, #tpu.memory_space<vmem>> -> memref<112x128xf32, #tpu.memory_space<vmem>>
    %dma_wait3A_608 = arith.constant 0 : i32
    %dma_wait3A_609 = tpu.memref_slice %arg2[%add3A_485, %dma_wait3A_608] : memref<50000x128xf32, #tpu.memory_space<hbm>> -> memref<112x128xf32, #tpu.memory_space<hbm>>
    %dma_wait3A_610 = arith.constant 0 : i32
    %dma_wait3A_611 = arith.constant 0 : i32
    %dma_wait3A_612 = tpu.memref_slice %arg7[%dma_wait3A_603, %dma_wait3A_610, %dma_wait3A_611] : memref<6x112x128xf32, #tpu.memory_space<vmem>> -> memref<1x112x128xf32, #tpu.memory_space<vmem>>
    %dma_wait3A_613 = tpu.memref_squeeze %dma_wait3A_612 : memref<1x112x128xf32, #tpu.memory_space<vmem>> -> memref<112x128xf32, #tpu.memory_space<vmem>>
    %dma_wait3A_614 = arith.constant 0 : i32
    %dma_wait3A_615 = tpu.memref_slice %arg2[%add3A_485, %dma_wait3A_614] : memref<50000x128xf32, #tpu.memory_space<hbm>> -> memref<112x128xf32, #tpu.memory_space<hbm>>
    tpu.wait_dma2 semaphore(%arg9 : memref<!tpu.dma_semaphore, #tpu.memory_space<semaphore_mem>>) src(%dma_wait3A_615 : memref<112x128xf32, #tpu.memory_space<hbm>>) dst(%dma_wait3A_613 : memref<112x128xf32, #tpu.memory_space<vmem>>)
    %dma_start3A_616 = arith.constant 0 : i32
    %dma_start3A_617 = arith.constant 6 : i32
    %dma_start3A_618 = arith.constant 0 : i32
    %dma_start3A_619 = arith.constant 0 : i32
    %dma_start3A_620 = tpu.memref_slice %arg7[%dma_start3A_616, %dma_start3A_618, %dma_start3A_619] : memref<6x112x128xf32, #tpu.memory_space<vmem>> -> memref<1x112x128xf32, #tpu.memory_space<vmem>>
    %dma_start3A_621 = tpu.memref_squeeze %dma_start3A_620 : memref<1x112x128xf32, #tpu.memory_space<vmem>> -> memref<112x128xf32, #tpu.memory_space<vmem>>
    %dma_start3A_622 = arith.constant 0 : i32
    %dma_start3A_623 = tpu.memref_slice %arg6[%dma_start3A_617, %dma_start3A_622] : memref<14x112xi32, #tpu.memory_space<vmem>> -> memref<1x112xi32, #tpu.memory_space<vmem>>
    %dma_start3A_624 = tpu.memref_squeeze %dma_start3A_623 : memref<1x112xi32, #tpu.memory_space<vmem>> -> memref<112xi32, #tpu.memory_space<vmem>>
    %dma_start3A_625 = arith.constant 0 : i32
    %dma_start3A_626 = arith.constant 0 : i32
    %dma_start3A_627 = tpu.memref_slice %arg4[%dma_start3A_625, %dma_start3A_626] : memref<100000x128xf32, #tpu.memory_space<hbm>> -> memref<100000x128xf32, #tpu.memory_space<hbm>>
    tpu.enqueue_indirect_dma source(%dma_start3A_621 : memref<112x128xf32, #tpu.memory_space<vmem>>) target(%dma_start3A_627 : memref<100000x128xf32, #tpu.memory_space<hbm>>) offsets(%dma_start3A_624 : memref<112xi32, #tpu.memory_space<vmem>>) semaphore(%arg15 : memref<!tpu.dma_semaphore, #tpu.memory_space<semaphore_mem>>)
    %dma_wait3A_628 = arith.constant 3 : i32
    %dma_wait3A_629 = arith.constant 3 : i32
    %dma_wait3A_630 = arith.constant 0 : i32
    %dma_wait3A_631 = arith.constant 0 : i32
    %dma_wait3A_632 = tpu.memref_slice %arg7[%dma_wait3A_628, %dma_wait3A_630, %dma_wait3A_631] : memref<6x112x128xf32, #tpu.memory_space<vmem>> -> memref<1x112x128xf32, #tpu.memory_space<vmem>>
    %dma_wait3A_633 = tpu.memref_squeeze %dma_wait3A_632 : memref<1x112x128xf32, #tpu.memory_space<vmem>> -> memref<112x128xf32, #tpu.memory_space<vmem>>
    %dma_wait3A_634 = arith.constant 0 : i32
    %dma_wait3A_635 = tpu.memref_slice %arg6[%dma_wait3A_629, %dma_wait3A_634] : memref<14x112xi32, #tpu.memory_space<vmem>> -> memref<1x112xi32, #tpu.memory_space<vmem>>
    %dma_wait3A_636 = tpu.memref_squeeze %dma_wait3A_635 : memref<1x112xi32, #tpu.memory_space<vmem>> -> memref<112xi32, #tpu.memory_space<vmem>>
    %dma_wait3A_637 = arith.constant 0 : i32
    %dma_wait3A_638 = arith.constant 0 : i32
    %dma_wait3A_639 = tpu.memref_slice %arg4[%dma_wait3A_637, %dma_wait3A_638] : memref<100000x128xf32, #tpu.memory_space<hbm>> -> memref<100000x128xf32, #tpu.memory_space<hbm>>
    tpu.wait_indirect_dma semaphore(%arg18 : memref<!tpu.dma_semaphore, #tpu.memory_space<semaphore_mem>>) src(%dma_wait3A_633 : memref<112x128xf32, #tpu.memory_space<vmem>>) dst(%dma_wait3A_639 : memref<100000x128xf32, #tpu.memory_space<hbm>>)
    %add3A_640 = arith.constant 1008 : i32
    %add3A_641 = arith.addi %min3A_3, %add3A_640 : i32
    %dma_start3A_642 = arith.constant 3 : i32
    %dma_start3A_643 = arith.constant 0 : i32
    %dma_start3A_644 = arith.constant 0 : i32
    %dma_start3A_645 = tpu.memref_slice %arg7[%dma_start3A_642, %dma_start3A_643, %dma_start3A_644] : memref<6x112x128xf32, #tpu.memory_space<vmem>> -> memref<1x112x128xf32, #tpu.memory_space<vmem>>
    %dma_start3A_646 = tpu.memref_squeeze %dma_start3A_645 : memref<1x112x128xf32, #tpu.memory_space<vmem>> -> memref<112x128xf32, #tpu.memory_space<vmem>>
    %dma_start3A_647 = arith.constant 0 : i32
    %dma_start3A_648 = tpu.memref_slice %arg2[%add3A_641, %dma_start3A_647] : memref<50000x128xf32, #tpu.memory_space<hbm>> -> memref<112x128xf32, #tpu.memory_space<hbm>>
    %dma_start3A_649 = arith.constant 0 : i32
    %dma_start3A_650 = arith.constant 0 : i32
    %dma_start3A_651 = tpu.memref_slice %arg7[%dma_start3A_642, %dma_start3A_649, %dma_start3A_650] : memref<6x112x128xf32, #tpu.memory_space<vmem>> -> memref<1x112x128xf32, #tpu.memory_space<vmem>>
    %dma_start3A_652 = tpu.memref_squeeze %dma_start3A_651 : memref<1x112x128xf32, #tpu.memory_space<vmem>> -> memref<112x128xf32, #tpu.memory_space<vmem>>
    %dma_start3A_653 = arith.constant 0 : i32
    %dma_start3A_654 = tpu.memref_slice %arg2[%add3A_641, %dma_start3A_653] : memref<50000x128xf32, #tpu.memory_space<hbm>> -> memref<112x128xf32, #tpu.memory_space<hbm>>
    tpu.enqueue_dma source(%dma_start3A_654 : memref<112x128xf32, #tpu.memory_space<hbm>>) target(%dma_start3A_652 : memref<112x128xf32, #tpu.memory_space<vmem>>) target_semaphore(%arg12 : memref<!tpu.dma_semaphore, #tpu.memory_space<semaphore_mem>>)
    %dma_wait3A_655 = arith.constant 1 : i32
    %dma_wait3A_656 = arith.constant 0 : i32
    %dma_wait3A_657 = arith.constant 0 : i32
    %dma_wait3A_658 = tpu.memref_slice %arg7[%dma_wait3A_655, %dma_wait3A_656, %dma_wait3A_657] : memref<6x112x128xf32, #tpu.memory_space<vmem>> -> memref<1x112x128xf32, #tpu.memory_space<vmem>>
    %dma_wait3A_659 = tpu.memref_squeeze %dma_wait3A_658 : memref<1x112x128xf32, #tpu.memory_space<vmem>> -> memref<112x128xf32, #tpu.memory_space<vmem>>
    %dma_wait3A_660 = arith.constant 0 : i32
    %dma_wait3A_661 = tpu.memref_slice %arg2[%add3A_537, %dma_wait3A_660] : memref<50000x128xf32, #tpu.memory_space<hbm>> -> memref<112x128xf32, #tpu.memory_space<hbm>>
    %dma_wait3A_662 = arith.constant 0 : i32
    %dma_wait3A_663 = arith.constant 0 : i32
    %dma_wait3A_664 = tpu.memref_slice %arg7[%dma_wait3A_655, %dma_wait3A_662, %dma_wait3A_663] : memref<6x112x128xf32, #tpu.memory_space<vmem>> -> memref<1x112x128xf32, #tpu.memory_space<vmem>>
    %dma_wait3A_665 = tpu.memref_squeeze %dma_wait3A_664 : memref<1x112x128xf32, #tpu.memory_space<vmem>> -> memref<112x128xf32, #tpu.memory_space<vmem>>
    %dma_wait3A_666 = arith.constant 0 : i32
    %dma_wait3A_667 = tpu.memref_slice %arg2[%add3A_537, %dma_wait3A_666] : memref<50000x128xf32, #tpu.memory_space<hbm>> -> memref<112x128xf32, #tpu.memory_space<hbm>>
    tpu.wait_dma2 semaphore(%arg10 : memref<!tpu.dma_semaphore, #tpu.memory_space<semaphore_mem>>) src(%dma_wait3A_667 : memref<112x128xf32, #tpu.memory_space<hbm>>) dst(%dma_wait3A_665 : memref<112x128xf32, #tpu.memory_space<vmem>>)
    %dma_start3A_668 = arith.constant 1 : i32
    %dma_start3A_669 = arith.constant 7 : i32
    %dma_start3A_670 = arith.constant 0 : i32
    %dma_start3A_671 = arith.constant 0 : i32
    %dma_start3A_672 = tpu.memref_slice %arg7[%dma_start3A_668, %dma_start3A_670, %dma_start3A_671] : memref<6x112x128xf32, #tpu.memory_space<vmem>> -> memref<1x112x128xf32, #tpu.memory_space<vmem>>
    %dma_start3A_673 = tpu.memref_squeeze %dma_start3A_672 : memref<1x112x128xf32, #tpu.memory_space<vmem>> -> memref<112x128xf32, #tpu.memory_space<vmem>>
    %dma_start3A_674 = arith.constant 0 : i32
    %dma_start3A_675 = tpu.memref_slice %arg6[%dma_start3A_669, %dma_start3A_674] : memref<14x112xi32, #tpu.memory_space<vmem>> -> memref<1x112xi32, #tpu.memory_space<vmem>>
    %dma_start3A_676 = tpu.memref_squeeze %dma_start3A_675 : memref<1x112xi32, #tpu.memory_space<vmem>> -> memref<112xi32, #tpu.memory_space<vmem>>
    %dma_start3A_677 = arith.constant 0 : i32
    %dma_start3A_678 = arith.constant 0 : i32
    %dma_start3A_679 = tpu.memref_slice %arg4[%dma_start3A_677, %dma_start3A_678] : memref<100000x128xf32, #tpu.memory_space<hbm>> -> memref<100000x128xf32, #tpu.memory_space<hbm>>
    tpu.enqueue_indirect_dma source(%dma_start3A_673 : memref<112x128xf32, #tpu.memory_space<vmem>>) target(%dma_start3A_679 : memref<100000x128xf32, #tpu.memory_space<hbm>>) offsets(%dma_start3A_676 : memref<112xi32, #tpu.memory_space<vmem>>) semaphore(%arg16 : memref<!tpu.dma_semaphore, #tpu.memory_space<semaphore_mem>>)
    %dma_wait3A_680 = arith.constant 4 : i32
    %dma_wait3A_681 = arith.constant 4 : i32
    %dma_wait3A_682 = arith.constant 0 : i32
    %dma_wait3A_683 = arith.constant 0 : i32
    %dma_wait3A_684 = tpu.memref_slice %arg7[%dma_wait3A_680, %dma_wait3A_682, %dma_wait3A_683] : memref<6x112x128xf32, #tpu.memory_space<vmem>> -> memref<1x112x128xf32, #tpu.memory_space<vmem>>
    %dma_wait3A_685 = tpu.memref_squeeze %dma_wait3A_684 : memref<1x112x128xf32, #tpu.memory_space<vmem>> -> memref<112x128xf32, #tpu.memory_space<vmem>>
    %dma_wait3A_686 = arith.constant 0 : i32
    %dma_wait3A_687 = tpu.memref_slice %arg6[%dma_wait3A_681, %dma_wait3A_686] : memref<14x112xi32, #tpu.memory_space<vmem>> -> memref<1x112xi32, #tpu.memory_space<vmem>>
    %dma_wait3A_688 = tpu.memref_squeeze %dma_wait3A_687 : memref<1x112xi32, #tpu.memory_space<vmem>> -> memref<112xi32, #tpu.memory_space<vmem>>
    %dma_wait3A_689 = arith.constant 0 : i32
    %dma_wait3A_690 = arith.constant 0 : i32
    %dma_wait3A_691 = tpu.memref_slice %arg4[%dma_wait3A_689, %dma_wait3A_690] : memref<100000x128xf32, #tpu.memory_space<hbm>> -> memref<100000x128xf32, #tpu.memory_space<hbm>>
    tpu.wait_indirect_dma semaphore(%arg19 : memref<!tpu.dma_semaphore, #tpu.memory_space<semaphore_mem>>) src(%dma_wait3A_685 : memref<112x128xf32, #tpu.memory_space<vmem>>) dst(%dma_wait3A_691 : memref<100000x128xf32, #tpu.memory_space<hbm>>)
    %add3A_692 = arith.constant 1120 : i32
    %add3A_693 = arith.addi %min3A_3, %add3A_692 : i32
    %dma_start3A_694 = arith.constant 4 : i32
    %dma_start3A_695 = arith.constant 0 : i32
    %dma_start3A_696 = arith.constant 0 : i32
    %dma_start3A_697 = tpu.memref_slice %arg7[%dma_start3A_694, %dma_start3A_695, %dma_start3A_696] : memref<6x112x128xf32, #tpu.memory_space<vmem>> -> memref<1x112x128xf32, #tpu.memory_space<vmem>>
    %dma_start3A_698 = tpu.memref_squeeze %dma_start3A_697 : memref<1x112x128xf32, #tpu.memory_space<vmem>> -> memref<112x128xf32, #tpu.memory_space<vmem>>
    %dma_start3A_699 = arith.constant 0 : i32
    %dma_start3A_700 = tpu.memref_slice %arg2[%add3A_693, %dma_start3A_699] : memref<50000x128xf32, #tpu.memory_space<hbm>> -> memref<112x128xf32, #tpu.memory_space<hbm>>
    %dma_start3A_701 = arith.constant 0 : i32
    %dma_start3A_702 = arith.constant 0 : i32
    %dma_start3A_703 = tpu.memref_slice %arg7[%dma_start3A_694, %dma_start3A_701, %dma_start3A_702] : memref<6x112x128xf32, #tpu.memory_space<vmem>> -> memref<1x112x128xf32, #tpu.memory_space<vmem>>
    %dma_start3A_704 = tpu.memref_squeeze %dma_start3A_703 : memref<1x112x128xf32, #tpu.memory_space<vmem>> -> memref<112x128xf32, #tpu.memory_space<vmem>>
    %dma_start3A_705 = arith.constant 0 : i32
    %dma_start3A_706 = tpu.memref_slice %arg2[%add3A_693, %dma_start3A_705] : memref<50000x128xf32, #tpu.memory_space<hbm>> -> memref<112x128xf32, #tpu.memory_space<hbm>>
    tpu.enqueue_dma source(%dma_start3A_706 : memref<112x128xf32, #tpu.memory_space<hbm>>) target(%dma_start3A_704 : memref<112x128xf32, #tpu.memory_space<vmem>>) target_semaphore(%arg13 : memref<!tpu.dma_semaphore, #tpu.memory_space<semaphore_mem>>)
    %dma_wait3A_707 = arith.constant 2 : i32
    %dma_wait3A_708 = arith.constant 0 : i32
    %dma_wait3A_709 = arith.constant 0 : i32
    %dma_wait3A_710 = tpu.memref_slice %arg7[%dma_wait3A_707, %dma_wait3A_708, %dma_wait3A_709] : memref<6x112x128xf32, #tpu.memory_space<vmem>> -> memref<1x112x128xf32, #tpu.memory_space<vmem>>
    %dma_wait3A_711 = tpu.memref_squeeze %dma_wait3A_710 : memref<1x112x128xf32, #tpu.memory_space<vmem>> -> memref<112x128xf32, #tpu.memory_space<vmem>>
    %dma_wait3A_712 = arith.constant 0 : i32
    %dma_wait3A_713 = tpu.memref_slice %arg2[%add3A_589, %dma_wait3A_712] : memref<50000x128xf32, #tpu.memory_space<hbm>> -> memref<112x128xf32, #tpu.memory_space<hbm>>
    %dma_wait3A_714 = arith.constant 0 : i32
    %dma_wait3A_715 = arith.constant 0 : i32
    %dma_wait3A_716 = tpu.memref_slice %arg7[%dma_wait3A_707, %dma_wait3A_714, %dma_wait3A_715] : memref<6x112x128xf32, #tpu.memory_space<vmem>> -> memref<1x112x128xf32, #tpu.memory_space<vmem>>
    %dma_wait3A_717 = tpu.memref_squeeze %dma_wait3A_716 : memref<1x112x128xf32, #tpu.memory_space<vmem>> -> memref<112x128xf32, #tpu.memory_space<vmem>>
    %dma_wait3A_718 = arith.constant 0 : i32
    %dma_wait3A_719 = tpu.memref_slice %arg2[%add3A_589, %dma_wait3A_718] : memref<50000x128xf32, #tpu.memory_space<hbm>> -> memref<112x128xf32, #tpu.memory_space<hbm>>
    tpu.wait_dma2 semaphore(%arg11 : memref<!tpu.dma_semaphore, #tpu.memory_space<semaphore_mem>>) src(%dma_wait3A_719 : memref<112x128xf32, #tpu.memory_space<hbm>>) dst(%dma_wait3A_717 : memref<112x128xf32, #tpu.memory_space<vmem>>)
    %dma_start3A_720 = arith.constant 2 : i32
    %dma_start3A_721 = arith.constant 8 : i32
    %dma_start3A_722 = arith.constant 0 : i32
    %dma_start3A_723 = arith.constant 0 : i32
    %dma_start3A_724 = tpu.memref_slice %arg7[%dma_start3A_720, %dma_start3A_722, %dma_start3A_723] : memref<6x112x128xf32, #tpu.memory_space<vmem>> -> memref<1x112x128xf32, #tpu.memory_space<vmem>>
    %dma_start3A_725 = tpu.memref_squeeze %dma_start3A_724 : memref<1x112x128xf32, #tpu.memory_space<vmem>> -> memref<112x128xf32, #tpu.memory_space<vmem>>
    %dma_start3A_726 = arith.constant 0 : i32
    %dma_start3A_727 = tpu.memref_slice %arg6[%dma_start3A_721, %dma_start3A_726] : memref<14x112xi32, #tpu.memory_space<vmem>> -> memref<1x112xi32, #tpu.memory_space<vmem>>
    %dma_start3A_728 = tpu.memref_squeeze %dma_start3A_727 : memref<1x112xi32, #tpu.memory_space<vmem>> -> memref<112xi32, #tpu.memory_space<vmem>>
    %dma_start3A_729 = arith.constant 0 : i32
    %dma_start3A_730 = arith.constant 0 : i32
    %dma_start3A_731 = tpu.memref_slice %arg4[%dma_start3A_729, %dma_start3A_730] : memref<100000x128xf32, #tpu.memory_space<hbm>> -> memref<100000x128xf32, #tpu.memory_space<hbm>>
    tpu.enqueue_indirect_dma source(%dma_start3A_725 : memref<112x128xf32, #tpu.memory_space<vmem>>) target(%dma_start3A_731 : memref<100000x128xf32, #tpu.memory_space<hbm>>) offsets(%dma_start3A_728 : memref<112xi32, #tpu.memory_space<vmem>>) semaphore(%arg17 : memref<!tpu.dma_semaphore, #tpu.memory_space<semaphore_mem>>)
    %dma_wait3A_732 = arith.constant 5 : i32
    %dma_wait3A_733 = arith.constant 5 : i32
    %dma_wait3A_734 = arith.constant 0 : i32
    %dma_wait3A_735 = arith.constant 0 : i32
    %dma_wait3A_736 = tpu.memref_slice %arg7[%dma_wait3A_732, %dma_wait3A_734, %dma_wait3A_735] : memref<6x112x128xf32, #tpu.memory_space<vmem>> -> memref<1x112x128xf32, #tpu.memory_space<vmem>>
    %dma_wait3A_737 = tpu.memref_squeeze %dma_wait3A_736 : memref<1x112x128xf32, #tpu.memory_space<vmem>> -> memref<112x128xf32, #tpu.memory_space<vmem>>
    %dma_wait3A_738 = arith.constant 0 : i32
    %dma_wait3A_739 = tpu.memref_slice %arg6[%dma_wait3A_733, %dma_wait3A_738] : memref<14x112xi32, #tpu.memory_space<vmem>> -> memref<1x112xi32, #tpu.memory_space<vmem>>
    %dma_wait3A_740 = tpu.memref_squeeze %dma_wait3A_739 : memref<1x112xi32, #tpu.memory_space<vmem>> -> memref<112xi32, #tpu.memory_space<vmem>>
    %dma_wait3A_741 = arith.constant 0 : i32
    %dma_wait3A_742 = arith.constant 0 : i32
    %dma_wait3A_743 = tpu.memref_slice %arg4[%dma_wait3A_741, %dma_wait3A_742] : memref<100000x128xf32, #tpu.memory_space<hbm>> -> memref<100000x128xf32, #tpu.memory_space<hbm>>
    tpu.wait_indirect_dma semaphore(%arg20 : memref<!tpu.dma_semaphore, #tpu.memory_space<semaphore_mem>>) src(%dma_wait3A_737 : memref<112x128xf32, #tpu.memory_space<vmem>>) dst(%dma_wait3A_743 : memref<100000x128xf32, #tpu.memory_space<hbm>>)
    %add3A_744 = arith.constant 1232 : i32
    %add3A_745 = arith.addi %min3A_3, %add3A_744 : i32
    %dma_start3A_746 = arith.constant 5 : i32
    %dma_start3A_747 = arith.constant 0 : i32
    %dma_start3A_748 = arith.constant 0 : i32
    %dma_start3A_749 = tpu.memref_slice %arg7[%dma_start3A_746, %dma_start3A_747, %dma_start3A_748] : memref<6x112x128xf32, #tpu.memory_space<vmem>> -> memref<1x112x128xf32, #tpu.memory_space<vmem>>
    %dma_start3A_750 = tpu.memref_squeeze %dma_start3A_749 : memref<1x112x128xf32, #tpu.memory_space<vmem>> -> memref<112x128xf32, #tpu.memory_space<vmem>>
    %dma_start3A_751 = arith.constant 0 : i32
    %dma_start3A_752 = tpu.memref_slice %arg2[%add3A_745, %dma_start3A_751] : memref<50000x128xf32, #tpu.memory_space<hbm>> -> memref<112x128xf32, #tpu.memory_space<hbm>>
    %dma_start3A_753 = arith.constant 0 : i32
    %dma_start3A_754 = arith.constant 0 : i32
    %dma_start3A_755 = tpu.memref_slice %arg7[%dma_start3A_746, %dma_start3A_753, %dma_start3A_754] : memref<6x112x128xf32, #tpu.memory_space<vmem>> -> memref<1x112x128xf32, #tpu.memory_space<vmem>>
    %dma_start3A_756 = tpu.memref_squeeze %dma_start3A_755 : memref<1x112x128xf32, #tpu.memory_space<vmem>> -> memref<112x128xf32, #tpu.memory_space<vmem>>
    %dma_start3A_757 = arith.constant 0 : i32
    %dma_start3A_758 = tpu.memref_slice %arg2[%add3A_745, %dma_start3A_757] : memref<50000x128xf32, #tpu.memory_space<hbm>> -> memref<112x128xf32, #tpu.memory_space<hbm>>
    tpu.enqueue_dma source(%dma_start3A_758 : memref<112x128xf32, #tpu.memory_space<hbm>>) target(%dma_start3A_756 : memref<112x128xf32, #tpu.memory_space<vmem>>) target_semaphore(%arg14 : memref<!tpu.dma_semaphore, #tpu.memory_space<semaphore_mem>>)
    %dma_wait3A_759 = arith.constant 3 : i32
    %dma_wait3A_760 = arith.constant 0 : i32
    %dma_wait3A_761 = arith.constant 0 : i32
    %dma_wait3A_762 = tpu.memref_slice %arg7[%dma_wait3A_759, %dma_wait3A_760, %dma_wait3A_761] : memref<6x112x128xf32, #tpu.memory_space<vmem>> -> memref<1x112x128xf32, #tpu.memory_space<vmem>>
    %dma_wait3A_763 = tpu.memref_squeeze %dma_wait3A_762 : memref<1x112x128xf32, #tpu.memory_space<vmem>> -> memref<112x128xf32, #tpu.memory_space<vmem>>
    %dma_wait3A_764 = arith.constant 0 : i32
    %dma_wait3A_765 = tpu.memref_slice %arg2[%add3A_641, %dma_wait3A_764] : memref<50000x128xf32, #tpu.memory_space<hbm>> -> memref<112x128xf32, #tpu.memory_space<hbm>>
    %dma_wait3A_766 = arith.constant 0 : i32
    %dma_wait3A_767 = arith.constant 0 : i32
    %dma_wait3A_768 = tpu.memref_slice %arg7[%dma_wait3A_759, %dma_wait3A_766, %dma_wait3A_767] : memref<6x112x128xf32, #tpu.memory_space<vmem>> -> memref<1x112x128xf32, #tpu.memory_space<vmem>>
    %dma_wait3A_769 = tpu.memref_squeeze %dma_wait3A_768 : memref<1x112x128xf32, #tpu.memory_space<vmem>> -> memref<112x128xf32, #tpu.memory_space<vmem>>
    %dma_wait3A_770 = arith.constant 0 : i32
    %dma_wait3A_771 = tpu.memref_slice %arg2[%add3A_641, %dma_wait3A_770] : memref<50000x128xf32, #tpu.memory_space<hbm>> -> memref<112x128xf32, #tpu.memory_space<hbm>>
    tpu.wait_dma2 semaphore(%arg12 : memref<!tpu.dma_semaphore, #tpu.memory_space<semaphore_mem>>) src(%dma_wait3A_771 : memref<112x128xf32, #tpu.memory_space<hbm>>) dst(%dma_wait3A_769 : memref<112x128xf32, #tpu.memory_space<vmem>>)
    %dma_start3A_772 = arith.constant 3 : i32
    %dma_start3A_773 = arith.constant 9 : i32
    %dma_start3A_774 = arith.constant 0 : i32
    %dma_start3A_775 = arith.constant 0 : i32
    %dma_start3A_776 = tpu.memref_slice %arg7[%dma_start3A_772, %dma_start3A_774, %dma_start3A_775] : memref<6x112x128xf32, #tpu.memory_space<vmem>> -> memref<1x112x128xf32, #tpu.memory_space<vmem>>
    %dma_start3A_777 = tpu.memref_squeeze %dma_start3A_776 : memref<1x112x128xf32, #tpu.memory_space<vmem>> -> memref<112x128xf32, #tpu.memory_space<vmem>>
    %dma_start3A_778 = arith.constant 0 : i32
    %dma_start3A_779 = tpu.memref_slice %arg6[%dma_start3A_773, %dma_start3A_778] : memref<14x112xi32, #tpu.memory_space<vmem>> -> memref<1x112xi32, #tpu.memory_space<vmem>>
    %dma_start3A_780 = tpu.memref_squeeze %dma_start3A_779 : memref<1x112xi32, #tpu.memory_space<vmem>> -> memref<112xi32, #tpu.memory_space<vmem>>
    %dma_start3A_781 = arith.constant 0 : i32
    %dma_start3A_782 = arith.constant 0 : i32
    %dma_start3A_783 = tpu.memref_slice %arg4[%dma_start3A_781, %dma_start3A_782] : memref<100000x128xf32, #tpu.memory_space<hbm>> -> memref<100000x128xf32, #tpu.memory_space<hbm>>
    tpu.enqueue_indirect_dma source(%dma_start3A_777 : memref<112x128xf32, #tpu.memory_space<vmem>>) target(%dma_start3A_783 : memref<100000x128xf32, #tpu.memory_space<hbm>>) offsets(%dma_start3A_780 : memref<112xi32, #tpu.memory_space<vmem>>) semaphore(%arg18 : memref<!tpu.dma_semaphore, #tpu.memory_space<semaphore_mem>>)
    %dma_wait3A_784 = arith.constant 0 : i32
    %dma_wait3A_785 = arith.constant 6 : i32
    %dma_wait3A_786 = arith.constant 0 : i32
    %dma_wait3A_787 = arith.constant 0 : i32
    %dma_wait3A_788 = tpu.memref_slice %arg7[%dma_wait3A_784, %dma_wait3A_786, %dma_wait3A_787] : memref<6x112x128xf32, #tpu.memory_space<vmem>> -> memref<1x112x128xf32, #tpu.memory_space<vmem>>
    %dma_wait3A_789 = tpu.memref_squeeze %dma_wait3A_788 : memref<1x112x128xf32, #tpu.memory_space<vmem>> -> memref<112x128xf32, #tpu.memory_space<vmem>>
    %dma_wait3A_790 = arith.constant 0 : i32
    %dma_wait3A_791 = tpu.memref_slice %arg6[%dma_wait3A_785, %dma_wait3A_790] : memref<14x112xi32, #tpu.memory_space<vmem>> -> memref<1x112xi32, #tpu.memory_space<vmem>>
    %dma_wait3A_792 = tpu.memref_squeeze %dma_wait3A_791 : memref<1x112xi32, #tpu.memory_space<vmem>> -> memref<112xi32, #tpu.memory_space<vmem>>
    %dma_wait3A_793 = arith.constant 0 : i32
    %dma_wait3A_794 = arith.constant 0 : i32
    %dma_wait3A_795 = tpu.memref_slice %arg4[%dma_wait3A_793, %dma_wait3A_794] : memref<100000x128xf32, #tpu.memory_space<hbm>> -> memref<100000x128xf32, #tpu.memory_space<hbm>>
    tpu.wait_indirect_dma semaphore(%arg15 : memref<!tpu.dma_semaphore, #tpu.memory_space<semaphore_mem>>) src(%dma_wait3A_789 : memref<112x128xf32, #tpu.memory_space<vmem>>) dst(%dma_wait3A_795 : memref<100000x128xf32, #tpu.memory_space<hbm>>)
    %add3A_796 = arith.constant 1344 : i32
    %add3A_797 = arith.addi %min3A_3, %add3A_796 : i32
    %dma_start3A_798 = arith.constant 0 : i32
    %dma_start3A_799 = arith.constant 0 : i32
    %dma_start3A_800 = arith.constant 0 : i32
    %dma_start3A_801 = tpu.memref_slice %arg7[%dma_start3A_798, %dma_start3A_799, %dma_start3A_800] : memref<6x112x128xf32, #tpu.memory_space<vmem>> -> memref<1x112x128xf32, #tpu.memory_space<vmem>>
    %dma_start3A_802 = tpu.memref_squeeze %dma_start3A_801 : memref<1x112x128xf32, #tpu.memory_space<vmem>> -> memref<112x128xf32, #tpu.memory_space<vmem>>
    %dma_start3A_803 = arith.constant 0 : i32
    %dma_start3A_804 = tpu.memref_slice %arg2[%add3A_797, %dma_start3A_803] : memref<50000x128xf32, #tpu.memory_space<hbm>> -> memref<112x128xf32, #tpu.memory_space<hbm>>
    %dma_start3A_805 = arith.constant 0 : i32
    %dma_start3A_806 = arith.constant 0 : i32
    %dma_start3A_807 = tpu.memref_slice %arg7[%dma_start3A_798, %dma_start3A_805, %dma_start3A_806] : memref<6x112x128xf32, #tpu.memory_space<vmem>> -> memref<1x112x128xf32, #tpu.memory_space<vmem>>
    %dma_start3A_808 = tpu.memref_squeeze %dma_start3A_807 : memref<1x112x128xf32, #tpu.memory_space<vmem>> -> memref<112x128xf32, #tpu.memory_space<vmem>>
    %dma_start3A_809 = arith.constant 0 : i32
    %dma_start3A_810 = tpu.memref_slice %arg2[%add3A_797, %dma_start3A_809] : memref<50000x128xf32, #tpu.memory_space<hbm>> -> memref<112x128xf32, #tpu.memory_space<hbm>>
    tpu.enqueue_dma source(%dma_start3A_810 : memref<112x128xf32, #tpu.memory_space<hbm>>) target(%dma_start3A_808 : memref<112x128xf32, #tpu.memory_space<vmem>>) target_semaphore(%arg9 : memref<!tpu.dma_semaphore, #tpu.memory_space<semaphore_mem>>)
    %dma_wait3A_811 = arith.constant 4 : i32
    %dma_wait3A_812 = arith.constant 0 : i32
    %dma_wait3A_813 = arith.constant 0 : i32
    %dma_wait3A_814 = tpu.memref_slice %arg7[%dma_wait3A_811, %dma_wait3A_812, %dma_wait3A_813] : memref<6x112x128xf32, #tpu.memory_space<vmem>> -> memref<1x112x128xf32, #tpu.memory_space<vmem>>
    %dma_wait3A_815 = tpu.memref_squeeze %dma_wait3A_814 : memref<1x112x128xf32, #tpu.memory_space<vmem>> -> memref<112x128xf32, #tpu.memory_space<vmem>>
    %dma_wait3A_816 = arith.constant 0 : i32
    %dma_wait3A_817 = tpu.memref_slice %arg2[%add3A_693, %dma_wait3A_816] : memref<50000x128xf32, #tpu.memory_space<hbm>> -> memref<112x128xf32, #tpu.memory_space<hbm>>
    %dma_wait3A_818 = arith.constant 0 : i32
    %dma_wait3A_819 = arith.constant 0 : i32
    %dma_wait3A_820 = tpu.memref_slice %arg7[%dma_wait3A_811, %dma_wait3A_818, %dma_wait3A_819] : memref<6x112x128xf32, #tpu.memory_space<vmem>> -> memref<1x112x128xf32, #tpu.memory_space<vmem>>
    %dma_wait3A_821 = tpu.memref_squeeze %dma_wait3A_820 : memref<1x112x128xf32, #tpu.memory_space<vmem>> -> memref<112x128xf32, #tpu.memory_space<vmem>>
    %dma_wait3A_822 = arith.constant 0 : i32
    %dma_wait3A_823 = tpu.memref_slice %arg2[%add3A_693, %dma_wait3A_822] : memref<50000x128xf32, #tpu.memory_space<hbm>> -> memref<112x128xf32, #tpu.memory_space<hbm>>
    tpu.wait_dma2 semaphore(%arg13 : memref<!tpu.dma_semaphore, #tpu.memory_space<semaphore_mem>>) src(%dma_wait3A_823 : memref<112x128xf32, #tpu.memory_space<hbm>>) dst(%dma_wait3A_821 : memref<112x128xf32, #tpu.memory_space<vmem>>)
    %dma_start3A_824 = arith.constant 4 : i32
    %dma_start3A_825 = arith.constant 10 : i32
    %dma_start3A_826 = arith.constant 0 : i32
    %dma_start3A_827 = arith.constant 0 : i32
    %dma_start3A_828 = tpu.memref_slice %arg7[%dma_start3A_824, %dma_start3A_826, %dma_start3A_827] : memref<6x112x128xf32, #tpu.memory_space<vmem>> -> memref<1x112x128xf32, #tpu.memory_space<vmem>>
    %dma_start3A_829 = tpu.memref_squeeze %dma_start3A_828 : memref<1x112x128xf32, #tpu.memory_space<vmem>> -> memref<112x128xf32, #tpu.memory_space<vmem>>
    %dma_start3A_830 = arith.constant 0 : i32
    %dma_start3A_831 = tpu.memref_slice %arg6[%dma_start3A_825, %dma_start3A_830] : memref<14x112xi32, #tpu.memory_space<vmem>> -> memref<1x112xi32, #tpu.memory_space<vmem>>
    %dma_start3A_832 = tpu.memref_squeeze %dma_start3A_831 : memref<1x112xi32, #tpu.memory_space<vmem>> -> memref<112xi32, #tpu.memory_space<vmem>>
    %dma_start3A_833 = arith.constant 0 : i32
    %dma_start3A_834 = arith.constant 0 : i32
    %dma_start3A_835 = tpu.memref_slice %arg4[%dma_start3A_833, %dma_start3A_834] : memref<100000x128xf32, #tpu.memory_space<hbm>> -> memref<100000x128xf32, #tpu.memory_space<hbm>>
    tpu.enqueue_indirect_dma source(%dma_start3A_829 : memref<112x128xf32, #tpu.memory_space<vmem>>) target(%dma_start3A_835 : memref<100000x128xf32, #tpu.memory_space<hbm>>) offsets(%dma_start3A_832 : memref<112xi32, #tpu.memory_space<vmem>>) semaphore(%arg19 : memref<!tpu.dma_semaphore, #tpu.memory_space<semaphore_mem>>)
    %dma_wait3A_836 = arith.constant 1 : i32
    %dma_wait3A_837 = arith.constant 7 : i32
    %dma_wait3A_838 = arith.constant 0 : i32
    %dma_wait3A_839 = arith.constant 0 : i32
    %dma_wait3A_840 = tpu.memref_slice %arg7[%dma_wait3A_836, %dma_wait3A_838, %dma_wait3A_839] : memref<6x112x128xf32, #tpu.memory_space<vmem>> -> memref<1x112x128xf32, #tpu.memory_space<vmem>>
    %dma_wait3A_841 = tpu.memref_squeeze %dma_wait3A_840 : memref<1x112x128xf32, #tpu.memory_space<vmem>> -> memref<112x128xf32, #tpu.memory_space<vmem>>
    %dma_wait3A_842 = arith.constant 0 : i32
    %dma_wait3A_843 = tpu.memref_slice %arg6[%dma_wait3A_837, %dma_wait3A_842] : memref<14x112xi32, #tpu.memory_space<vmem>> -> memref<1x112xi32, #tpu.memory_space<vmem>>
    %dma_wait3A_844 = tpu.memref_squeeze %dma_wait3A_843 : memref<1x112xi32, #tpu.memory_space<vmem>> -> memref<112xi32, #tpu.memory_space<vmem>>
    %dma_wait3A_845 = arith.constant 0 : i32
    %dma_wait3A_846 = arith.constant 0 : i32
    %dma_wait3A_847 = tpu.memref_slice %arg4[%dma_wait3A_845, %dma_wait3A_846] : memref<100000x128xf32, #tpu.memory_space<hbm>> -> memref<100000x128xf32, #tpu.memory_space<hbm>>
    tpu.wait_indirect_dma semaphore(%arg16 : memref<!tpu.dma_semaphore, #tpu.memory_space<semaphore_mem>>) src(%dma_wait3A_841 : memref<112x128xf32, #tpu.memory_space<vmem>>) dst(%dma_wait3A_847 : memref<100000x128xf32, #tpu.memory_space<hbm>>)
    %add3A_848 = arith.constant 1456 : i32
    %add3A_849 = arith.addi %min3A_3, %add3A_848 : i32
    %dma_start3A_850 = arith.constant 1 : i32
    %dma_start3A_851 = arith.constant 0 : i32
    %dma_start3A_852 = arith.constant 0 : i32
    %dma_start3A_853 = tpu.memref_slice %arg7[%dma_start3A_850, %dma_start3A_851, %dma_start3A_852] : memref<6x112x128xf32, #tpu.memory_space<vmem>> -> memref<1x112x128xf32, #tpu.memory_space<vmem>>
    %dma_start3A_854 = tpu.memref_squeeze %dma_start3A_853 : memref<1x112x128xf32, #tpu.memory_space<vmem>> -> memref<112x128xf32, #tpu.memory_space<vmem>>
    %dma_start3A_855 = arith.constant 0 : i32
    %dma_start3A_856 = tpu.memref_slice %arg2[%add3A_849, %dma_start3A_855] : memref<50000x128xf32, #tpu.memory_space<hbm>> -> memref<112x128xf32, #tpu.memory_space<hbm>>
    %dma_start3A_857 = arith.constant 0 : i32
    %dma_start3A_858 = arith.constant 0 : i32
    %dma_start3A_859 = tpu.memref_slice %arg7[%dma_start3A_850, %dma_start3A_857, %dma_start3A_858] : memref<6x112x128xf32, #tpu.memory_space<vmem>> -> memref<1x112x128xf32, #tpu.memory_space<vmem>>
    %dma_start3A_860 = tpu.memref_squeeze %dma_start3A_859 : memref<1x112x128xf32, #tpu.memory_space<vmem>> -> memref<112x128xf32, #tpu.memory_space<vmem>>
    %dma_start3A_861 = arith.constant 0 : i32
    %dma_start3A_862 = tpu.memref_slice %arg2[%add3A_849, %dma_start3A_861] : memref<50000x128xf32, #tpu.memory_space<hbm>> -> memref<112x128xf32, #tpu.memory_space<hbm>>
    tpu.enqueue_dma source(%dma_start3A_862 : memref<112x128xf32, #tpu.memory_space<hbm>>) target(%dma_start3A_860 : memref<112x128xf32, #tpu.memory_space<vmem>>) target_semaphore(%arg10 : memref<!tpu.dma_semaphore, #tpu.memory_space<semaphore_mem>>)
    %dma_wait3A_863 = arith.constant 5 : i32
    %dma_wait3A_864 = arith.constant 0 : i32
    %dma_wait3A_865 = arith.constant 0 : i32
    %dma_wait3A_866 = tpu.memref_slice %arg7[%dma_wait3A_863, %dma_wait3A_864, %dma_wait3A_865] : memref<6x112x128xf32, #tpu.memory_space<vmem>> -> memref<1x112x128xf32, #tpu.memory_space<vmem>>
    %dma_wait3A_867 = tpu.memref_squeeze %dma_wait3A_866 : memref<1x112x128xf32, #tpu.memory_space<vmem>> -> memref<112x128xf32, #tpu.memory_space<vmem>>
    %dma_wait3A_868 = arith.constant 0 : i32
    %dma_wait3A_869 = tpu.memref_slice %arg2[%add3A_745, %dma_wait3A_868] : memref<50000x128xf32, #tpu.memory_space<hbm>> -> memref<112x128xf32, #tpu.memory_space<hbm>>
    %dma_wait3A_870 = arith.constant 0 : i32
    %dma_wait3A_871 = arith.constant 0 : i32
    %dma_wait3A_872 = tpu.memref_slice %arg7[%dma_wait3A_863, %dma_wait3A_870, %dma_wait3A_871] : memref<6x112x128xf32, #tpu.memory_space<vmem>> -> memref<1x112x128xf32, #tpu.memory_space<vmem>>
    %dma_wait3A_873 = tpu.memref_squeeze %dma_wait3A_872 : memref<1x112x128xf32, #tpu.memory_space<vmem>> -> memref<112x128xf32, #tpu.memory_space<vmem>>
    %dma_wait3A_874 = arith.constant 0 : i32
    %dma_wait3A_875 = tpu.memref_slice %arg2[%add3A_745, %dma_wait3A_874] : memref<50000x128xf32, #tpu.memory_space<hbm>> -> memref<112x128xf32, #tpu.memory_space<hbm>>
    tpu.wait_dma2 semaphore(%arg14 : memref<!tpu.dma_semaphore, #tpu.memory_space<semaphore_mem>>) src(%dma_wait3A_875 : memref<112x128xf32, #tpu.memory_space<hbm>>) dst(%dma_wait3A_873 : memref<112x128xf32, #tpu.memory_space<vmem>>)
    %dma_start3A_876 = arith.constant 5 : i32
    %dma_start3A_877 = arith.constant 11 : i32
    %dma_start3A_878 = arith.constant 0 : i32
    %dma_start3A_879 = arith.constant 0 : i32
    %dma_start3A_880 = tpu.memref_slice %arg7[%dma_start3A_876, %dma_start3A_878, %dma_start3A_879] : memref<6x112x128xf32, #tpu.memory_space<vmem>> -> memref<1x112x128xf32, #tpu.memory_space<vmem>>
    %dma_start3A_881 = tpu.memref_squeeze %dma_start3A_880 : memref<1x112x128xf32, #tpu.memory_space<vmem>> -> memref<112x128xf32, #tpu.memory_space<vmem>>
    %dma_start3A_882 = arith.constant 0 : i32
    %dma_start3A_883 = tpu.memref_slice %arg6[%dma_start3A_877, %dma_start3A_882] : memref<14x112xi32, #tpu.memory_space<vmem>> -> memref<1x112xi32, #tpu.memory_space<vmem>>
    %dma_start3A_884 = tpu.memref_squeeze %dma_start3A_883 : memref<1x112xi32, #tpu.memory_space<vmem>> -> memref<112xi32, #tpu.memory_space<vmem>>
    %dma_start3A_885 = arith.constant 0 : i32
    %dma_start3A_886 = arith.constant 0 : i32
    %dma_start3A_887 = tpu.memref_slice %arg4[%dma_start3A_885, %dma_start3A_886] : memref<100000x128xf32, #tpu.memory_space<hbm>> -> memref<100000x128xf32, #tpu.memory_space<hbm>>
    tpu.enqueue_indirect_dma source(%dma_start3A_881 : memref<112x128xf32, #tpu.memory_space<vmem>>) target(%dma_start3A_887 : memref<100000x128xf32, #tpu.memory_space<hbm>>) offsets(%dma_start3A_884 : memref<112xi32, #tpu.memory_space<vmem>>) semaphore(%arg20 : memref<!tpu.dma_semaphore, #tpu.memory_space<semaphore_mem>>)
    %dma_wait3A_888 = arith.constant 2 : i32
    %dma_wait3A_889 = arith.constant 8 : i32
    %dma_wait3A_890 = arith.constant 0 : i32
    %dma_wait3A_891 = arith.constant 0 : i32
    %dma_wait3A_892 = tpu.memref_slice %arg7[%dma_wait3A_888, %dma_wait3A_890, %dma_wait3A_891] : memref<6x112x128xf32, #tpu.memory_space<vmem>> -> memref<1x112x128xf32, #tpu.memory_space<vmem>>
    %dma_wait3A_893 = tpu.memref_squeeze %dma_wait3A_892 : memref<1x112x128xf32, #tpu.memory_space<vmem>> -> memref<112x128xf32, #tpu.memory_space<vmem>>
    %dma_wait3A_894 = arith.constant 0 : i32
    %dma_wait3A_895 = tpu.memref_slice %arg6[%dma_wait3A_889, %dma_wait3A_894] : memref<14x112xi32, #tpu.memory_space<vmem>> -> memref<1x112xi32, #tpu.memory_space<vmem>>
    %dma_wait3A_896 = tpu.memref_squeeze %dma_wait3A_895 : memref<1x112xi32, #tpu.memory_space<vmem>> -> memref<112xi32, #tpu.memory_space<vmem>>
    %dma_wait3A_897 = arith.constant 0 : i32
    %dma_wait3A_898 = arith.constant 0 : i32
    %dma_wait3A_899 = tpu.memref_slice %arg4[%dma_wait3A_897, %dma_wait3A_898] : memref<100000x128xf32, #tpu.memory_space<hbm>> -> memref<100000x128xf32, #tpu.memory_space<hbm>>
    tpu.wait_indirect_dma semaphore(%arg17 : memref<!tpu.dma_semaphore, #tpu.memory_space<semaphore_mem>>) src(%dma_wait3A_893 : memref<112x128xf32, #tpu.memory_space<vmem>>) dst(%dma_wait3A_899 : memref<100000x128xf32, #tpu.memory_space<hbm>>)
    %dma_wait3A_900 = arith.constant 0 : i32
    %dma_wait3A_901 = arith.constant 0 : i32
    %dma_wait3A_902 = arith.constant 0 : i32
    %dma_wait3A_903 = tpu.memref_slice %arg7[%dma_wait3A_900, %dma_wait3A_901, %dma_wait3A_902] : memref<6x112x128xf32, #tpu.memory_space<vmem>> -> memref<1x112x128xf32, #tpu.memory_space<vmem>>
    %dma_wait3A_904 = tpu.memref_squeeze %dma_wait3A_903 : memref<1x112x128xf32, #tpu.memory_space<vmem>> -> memref<112x128xf32, #tpu.memory_space<vmem>>
    %dma_wait3A_905 = arith.constant 0 : i32
    %dma_wait3A_906 = tpu.memref_slice %arg2[%add3A_797, %dma_wait3A_905] : memref<50000x128xf32, #tpu.memory_space<hbm>> -> memref<112x128xf32, #tpu.memory_space<hbm>>
    %dma_wait3A_907 = arith.constant 0 : i32
    %dma_wait3A_908 = arith.constant 0 : i32
    %dma_wait3A_909 = tpu.memref_slice %arg7[%dma_wait3A_900, %dma_wait3A_907, %dma_wait3A_908] : memref<6x112x128xf32, #tpu.memory_space<vmem>> -> memref<1x112x128xf32, #tpu.memory_space<vmem>>
    %dma_wait3A_910 = tpu.memref_squeeze %dma_wait3A_909 : memref<1x112x128xf32, #tpu.memory_space<vmem>> -> memref<112x128xf32, #tpu.memory_space<vmem>>
    %dma_wait3A_911 = arith.constant 0 : i32
    %dma_wait3A_912 = tpu.memref_slice %arg2[%add3A_797, %dma_wait3A_911] : memref<50000x128xf32, #tpu.memory_space<hbm>> -> memref<112x128xf32, #tpu.memory_space<hbm>>
    tpu.wait_dma2 semaphore(%arg9 : memref<!tpu.dma_semaphore, #tpu.memory_space<semaphore_mem>>) src(%dma_wait3A_912 : memref<112x128xf32, #tpu.memory_space<hbm>>) dst(%dma_wait3A_910 : memref<112x128xf32, #tpu.memory_space<vmem>>)
    %dma_start3A_913 = arith.constant 0 : i32
    %dma_start3A_914 = arith.constant 12 : i32
    %dma_start3A_915 = arith.constant 0 : i32
    %dma_start3A_916 = arith.constant 0 : i32
    %dma_start3A_917 = tpu.memref_slice %arg7[%dma_start3A_913, %dma_start3A_915, %dma_start3A_916] : memref<6x112x128xf32, #tpu.memory_space<vmem>> -> memref<1x112x128xf32, #tpu.memory_space<vmem>>
    %dma_start3A_918 = tpu.memref_squeeze %dma_start3A_917 : memref<1x112x128xf32, #tpu.memory_space<vmem>> -> memref<112x128xf32, #tpu.memory_space<vmem>>
    %dma_start3A_919 = arith.constant 0 : i32
    %dma_start3A_920 = tpu.memref_slice %arg6[%dma_start3A_914, %dma_start3A_919] : memref<14x112xi32, #tpu.memory_space<vmem>> -> memref<1x112xi32, #tpu.memory_space<vmem>>
    %dma_start3A_921 = tpu.memref_squeeze %dma_start3A_920 : memref<1x112xi32, #tpu.memory_space<vmem>> -> memref<112xi32, #tpu.memory_space<vmem>>
    %dma_start3A_922 = arith.constant 0 : i32
    %dma_start3A_923 = arith.constant 0 : i32
    %dma_start3A_924 = tpu.memref_slice %arg4[%dma_start3A_922, %dma_start3A_923] : memref<100000x128xf32, #tpu.memory_space<hbm>> -> memref<100000x128xf32, #tpu.memory_space<hbm>>
    tpu.enqueue_indirect_dma source(%dma_start3A_918 : memref<112x128xf32, #tpu.memory_space<vmem>>) target(%dma_start3A_924 : memref<100000x128xf32, #tpu.memory_space<hbm>>) offsets(%dma_start3A_921 : memref<112xi32, #tpu.memory_space<vmem>>) semaphore(%arg15 : memref<!tpu.dma_semaphore, #tpu.memory_space<semaphore_mem>>)
    %dma_wait3A_925 = arith.constant 3 : i32
    %dma_wait3A_926 = arith.constant 9 : i32
    %dma_wait3A_927 = arith.constant 0 : i32
    %dma_wait3A_928 = arith.constant 0 : i32
    %dma_wait3A_929 = tpu.memref_slice %arg7[%dma_wait3A_925, %dma_wait3A_927, %dma_wait3A_928] : memref<6x112x128xf32, #tpu.memory_space<vmem>> -> memref<1x112x128xf32, #tpu.memory_space<vmem>>
    %dma_wait3A_930 = tpu.memref_squeeze %dma_wait3A_929 : memref<1x112x128xf32, #tpu.memory_space<vmem>> -> memref<112x128xf32, #tpu.memory_space<vmem>>
    %dma_wait3A_931 = arith.constant 0 : i32
    %dma_wait3A_932 = tpu.memref_slice %arg6[%dma_wait3A_926, %dma_wait3A_931] : memref<14x112xi32, #tpu.memory_space<vmem>> -> memref<1x112xi32, #tpu.memory_space<vmem>>
    %dma_wait3A_933 = tpu.memref_squeeze %dma_wait3A_932 : memref<1x112xi32, #tpu.memory_space<vmem>> -> memref<112xi32, #tpu.memory_space<vmem>>
    %dma_wait3A_934 = arith.constant 0 : i32
    %dma_wait3A_935 = arith.constant 0 : i32
    %dma_wait3A_936 = tpu.memref_slice %arg4[%dma_wait3A_934, %dma_wait3A_935] : memref<100000x128xf32, #tpu.memory_space<hbm>> -> memref<100000x128xf32, #tpu.memory_space<hbm>>
    tpu.wait_indirect_dma semaphore(%arg18 : memref<!tpu.dma_semaphore, #tpu.memory_space<semaphore_mem>>) src(%dma_wait3A_930 : memref<112x128xf32, #tpu.memory_space<vmem>>) dst(%dma_wait3A_936 : memref<100000x128xf32, #tpu.memory_space<hbm>>)
    %dma_wait3A_937 = arith.constant 1 : i32
    %dma_wait3A_938 = arith.constant 0 : i32
    %dma_wait3A_939 = arith.constant 0 : i32
    %dma_wait3A_940 = tpu.memref_slice %arg7[%dma_wait3A_937, %dma_wait3A_938, %dma_wait3A_939] : memref<6x112x128xf32, #tpu.memory_space<vmem>> -> memref<1x112x128xf32, #tpu.memory_space<vmem>>
    %dma_wait3A_941 = tpu.memref_squeeze %dma_wait3A_940 : memref<1x112x128xf32, #tpu.memory_space<vmem>> -> memref<112x128xf32, #tpu.memory_space<vmem>>
    %dma_wait3A_942 = arith.constant 0 : i32
    %dma_wait3A_943 = tpu.memref_slice %arg2[%add3A_849, %dma_wait3A_942] : memref<50000x128xf32, #tpu.memory_space<hbm>> -> memref<112x128xf32, #tpu.memory_space<hbm>>
    %dma_wait3A_944 = arith.constant 0 : i32
    %dma_wait3A_945 = arith.constant 0 : i32
    %dma_wait3A_946 = tpu.memref_slice %arg7[%dma_wait3A_937, %dma_wait3A_944, %dma_wait3A_945] : memref<6x112x128xf32, #tpu.memory_space<vmem>> -> memref<1x112x128xf32, #tpu.memory_space<vmem>>
    %dma_wait3A_947 = tpu.memref_squeeze %dma_wait3A_946 : memref<1x112x128xf32, #tpu.memory_space<vmem>> -> memref<112x128xf32, #tpu.memory_space<vmem>>
    %dma_wait3A_948 = arith.constant 0 : i32
    %dma_wait3A_949 = tpu.memref_slice %arg2[%add3A_849, %dma_wait3A_948] : memref<50000x128xf32, #tpu.memory_space<hbm>> -> memref<112x128xf32, #tpu.memory_space<hbm>>
    tpu.wait_dma2 semaphore(%arg10 : memref<!tpu.dma_semaphore, #tpu.memory_space<semaphore_mem>>) src(%dma_wait3A_949 : memref<112x128xf32, #tpu.memory_space<hbm>>) dst(%dma_wait3A_947 : memref<112x128xf32, #tpu.memory_space<vmem>>)
    %dma_start3A_950 = arith.constant 1 : i32
    %dma_start3A_951 = arith.constant 13 : i32
    %dma_start3A_952 = arith.constant 0 : i32
    %dma_start3A_953 = arith.constant 0 : i32
    %dma_start3A_954 = tpu.memref_slice %arg7[%dma_start3A_950, %dma_start3A_952, %dma_start3A_953] : memref<6x112x128xf32, #tpu.memory_space<vmem>> -> memref<1x112x128xf32, #tpu.memory_space<vmem>>
    %dma_start3A_955 = tpu.memref_squeeze %dma_start3A_954 : memref<1x112x128xf32, #tpu.memory_space<vmem>> -> memref<112x128xf32, #tpu.memory_space<vmem>>
    %dma_start3A_956 = arith.constant 0 : i32
    %dma_start3A_957 = tpu.memref_slice %arg6[%dma_start3A_951, %dma_start3A_956] : memref<14x112xi32, #tpu.memory_space<vmem>> -> memref<1x112xi32, #tpu.memory_space<vmem>>
    %dma_start3A_958 = tpu.memref_squeeze %dma_start3A_957 : memref<1x112xi32, #tpu.memory_space<vmem>> -> memref<112xi32, #tpu.memory_space<vmem>>
    %dma_start3A_959 = arith.constant 0 : i32
    %dma_start3A_960 = arith.constant 0 : i32
    %dma_start3A_961 = tpu.memref_slice %arg4[%dma_start3A_959, %dma_start3A_960] : memref<100000x128xf32, #tpu.memory_space<hbm>> -> memref<100000x128xf32, #tpu.memory_space<hbm>>
    tpu.enqueue_indirect_dma source(%dma_start3A_955 : memref<112x128xf32, #tpu.memory_space<vmem>>) target(%dma_start3A_961 : memref<100000x128xf32, #tpu.memory_space<hbm>>) offsets(%dma_start3A_958 : memref<112xi32, #tpu.memory_space<vmem>>) semaphore(%arg16 : memref<!tpu.dma_semaphore, #tpu.memory_space<semaphore_mem>>)
    %dma_wait3A_962 = arith.constant 4 : i32
    %dma_wait3A_963 = arith.constant 10 : i32
    %dma_wait3A_964 = arith.constant 0 : i32
    %dma_wait3A_965 = arith.constant 0 : i32
    %dma_wait3A_966 = tpu.memref_slice %arg7[%dma_wait3A_962, %dma_wait3A_964, %dma_wait3A_965] : memref<6x112x128xf32, #tpu.memory_space<vmem>> -> memref<1x112x128xf32, #tpu.memory_space<vmem>>
    %dma_wait3A_967 = tpu.memref_squeeze %dma_wait3A_966 : memref<1x112x128xf32, #tpu.memory_space<vmem>> -> memref<112x128xf32, #tpu.memory_space<vmem>>
    %dma_wait3A_968 = arith.constant 0 : i32
    %dma_wait3A_969 = tpu.memref_slice %arg6[%dma_wait3A_963, %dma_wait3A_968] : memref<14x112xi32, #tpu.memory_space<vmem>> -> memref<1x112xi32, #tpu.memory_space<vmem>>
    %dma_wait3A_970 = tpu.memref_squeeze %dma_wait3A_969 : memref<1x112xi32, #tpu.memory_space<vmem>> -> memref<112xi32, #tpu.memory_space<vmem>>
    %dma_wait3A_971 = arith.constant 0 : i32
    %dma_wait3A_972 = arith.constant 0 : i32
    %dma_wait3A_973 = tpu.memref_slice %arg4[%dma_wait3A_971, %dma_wait3A_972] : memref<100000x128xf32, #tpu.memory_space<hbm>> -> memref<100000x128xf32, #tpu.memory_space<hbm>>
    tpu.wait_indirect_dma semaphore(%arg19 : memref<!tpu.dma_semaphore, #tpu.memory_space<semaphore_mem>>) src(%dma_wait3A_967 : memref<112x128xf32, #tpu.memory_space<vmem>>) dst(%dma_wait3A_973 : memref<100000x128xf32, #tpu.memory_space<hbm>>)
    %dma_wait3A_974 = arith.constant 5 : i32
    %dma_wait3A_975 = arith.constant 11 : i32
    %dma_wait3A_976 = arith.constant 0 : i32
    %dma_wait3A_977 = arith.constant 0 : i32
    %dma_wait3A_978 = tpu.memref_slice %arg7[%dma_wait3A_974, %dma_wait3A_976, %dma_wait3A_977] : memref<6x112x128xf32, #tpu.memory_space<vmem>> -> memref<1x112x128xf32, #tpu.memory_space<vmem>>
    %dma_wait3A_979 = tpu.memref_squeeze %dma_wait3A_978 : memref<1x112x128xf32, #tpu.memory_space<vmem>> -> memref<112x128xf32, #tpu.memory_space<vmem>>
    %dma_wait3A_980 = arith.constant 0 : i32
    %dma_wait3A_981 = tpu.memref_slice %arg6[%dma_wait3A_975, %dma_wait3A_980] : memref<14x112xi32, #tpu.memory_space<vmem>> -> memref<1x112xi32, #tpu.memory_space<vmem>>
    %dma_wait3A_982 = tpu.memref_squeeze %dma_wait3A_981 : memref<1x112xi32, #tpu.memory_space<vmem>> -> memref<112xi32, #tpu.memory_space<vmem>>
    %dma_wait3A_983 = arith.constant 0 : i32
    %dma_wait3A_984 = arith.constant 0 : i32
    %dma_wait3A_985 = tpu.memref_slice %arg4[%dma_wait3A_983, %dma_wait3A_984] : memref<100000x128xf32, #tpu.memory_space<hbm>> -> memref<100000x128xf32, #tpu.memory_space<hbm>>
    tpu.wait_indirect_dma semaphore(%arg20 : memref<!tpu.dma_semaphore, #tpu.memory_space<semaphore_mem>>) src(%dma_wait3A_979 : memref<112x128xf32, #tpu.memory_space<vmem>>) dst(%dma_wait3A_985 : memref<100000x128xf32, #tpu.memory_space<hbm>>)
    %dma_wait3A_986 = arith.constant 0 : i32
    %dma_wait3A_987 = arith.constant 12 : i32
    %dma_wait3A_988 = arith.constant 0 : i32
    %dma_wait3A_989 = arith.constant 0 : i32
    %dma_wait3A_990 = tpu.memref_slice %arg7[%dma_wait3A_986, %dma_wait3A_988, %dma_wait3A_989] : memref<6x112x128xf32, #tpu.memory_space<vmem>> -> memref<1x112x128xf32, #tpu.memory_space<vmem>>
    %dma_wait3A_991 = tpu.memref_squeeze %dma_wait3A_990 : memref<1x112x128xf32, #tpu.memory_space<vmem>> -> memref<112x128xf32, #tpu.memory_space<vmem>>
    %dma_wait3A_992 = arith.constant 0 : i32
    %dma_wait3A_993 = tpu.memref_slice %arg6[%dma_wait3A_987, %dma_wait3A_992] : memref<14x112xi32, #tpu.memory_space<vmem>> -> memref<1x112xi32, #tpu.memory_space<vmem>>
    %dma_wait3A_994 = tpu.memref_squeeze %dma_wait3A_993 : memref<1x112xi32, #tpu.memory_space<vmem>> -> memref<112xi32, #tpu.memory_space<vmem>>
    %dma_wait3A_995 = arith.constant 0 : i32
    %dma_wait3A_996 = arith.constant 0 : i32
    %dma_wait3A_997 = tpu.memref_slice %arg4[%dma_wait3A_995, %dma_wait3A_996] : memref<100000x128xf32, #tpu.memory_space<hbm>> -> memref<100000x128xf32, #tpu.memory_space<hbm>>
    tpu.wait_indirect_dma semaphore(%arg15 : memref<!tpu.dma_semaphore, #tpu.memory_space<semaphore_mem>>) src(%dma_wait3A_991 : memref<112x128xf32, #tpu.memory_space<vmem>>) dst(%dma_wait3A_997 : memref<100000x128xf32, #tpu.memory_space<hbm>>)
    %dma_wait3A_998 = arith.constant 1 : i32
    %dma_wait3A_999 = arith.constant 13 : i32
    %dma_wait3A_1000 = arith.constant 0 : i32
    %dma_wait3A_1001 = arith.constant 0 : i32
    %dma_wait3A_1002 = tpu.memref_slice %arg7[%dma_wait3A_998, %dma_wait3A_1000, %dma_wait3A_1001] : memref<6x112x128xf32, #tpu.memory_space<vmem>> -> memref<1x112x128xf32, #tpu.memory_space<vmem>>
    %dma_wait3A_1003 = tpu.memref_squeeze %dma_wait3A_1002 : memref<1x112x128xf32, #tpu.memory_space<vmem>> -> memref<112x128xf32, #tpu.memory_space<vmem>>
    %dma_wait3A_1004 = arith.constant 0 : i32
    %dma_wait3A_1005 = tpu.memref_slice %arg6[%dma_wait3A_999, %dma_wait3A_1004] : memref<14x112xi32, #tpu.memory_space<vmem>> -> memref<1x112xi32, #tpu.memory_space<vmem>>
    %dma_wait3A_1006 = tpu.memref_squeeze %dma_wait3A_1005 : memref<1x112xi32, #tpu.memory_space<vmem>> -> memref<112xi32, #tpu.memory_space<vmem>>
    %dma_wait3A_1007 = arith.constant 0 : i32
    %dma_wait3A_1008 = arith.constant 0 : i32
    %dma_wait3A_1009 = tpu.memref_slice %arg4[%dma_wait3A_1007, %dma_wait3A_1008] : memref<100000x128xf32, #tpu.memory_space<hbm>> -> memref<100000x128xf32, #tpu.memory_space<hbm>>
    tpu.wait_indirect_dma semaphore(%arg16 : memref<!tpu.dma_semaphore, #tpu.memory_space<semaphore_mem>>) src(%dma_wait3A_1003 : memref<112x128xf32, #tpu.memory_space<vmem>>) dst(%dma_wait3A_1009 : memref<100000x128xf32, #tpu.memory_space<hbm>>)
    return
  }
}

module attributes {stable_mosaic.version = 14 : i64} {
  func.func @_zero_body(%arg0: i32, %arg1: memref<10000x128xf32, #tpu.memory_space<vmem>>) attributes {dimension_semantics = [#tpu.dimension_semantics<arbitrary>], iteration_bounds = array<i64: 10>, scalar_prefetch = 0 : i64, scratch_operands = 0 : i64, tpu.core_type = #tpu.core_type<tc>, window_params = [{transform_indices = @transform_0, window_bounds = array<i64: 10000, 128>}]} {
    %broadcast_in_dim3A = arith.constant 0.000000e+00 : f32
    %broadcast_in_dim3A_0 = vector.broadcast %broadcast_in_dim3A : f32 to vector<10000x128xf32>
    %swap3A = arith.constant 0 : index
    %swap3A_1 = arith.constant 0 : index
    %swap3A_2 = vector.load %arg1[%swap3A, %swap3A_1] : memref<10000x128xf32, #tpu.memory_space<vmem>>, vector<10000x128xf32>
    tpu.vector_store %arg1[%swap3A, %swap3A_1], %broadcast_in_dim3A_0 {strides = array<i32>} : memref<10000x128xf32, #tpu.memory_space<vmem>>, vector<10000x128xf32>,
    return
  }
  func.func @transform_0(%arg0: i32) -> (i32, i32) {
    %c0_i32 = arith.constant 0 : i32
    %c0_i32_0 = arith.constant 0 : i32
    return %arg0, %c0_i32 : i32, i32
  }
}

</mosaic_0001>

<sc_bundles>
// kernel: kernel.4.cloned.1.call-start
scs
__scs_entry_jumppad:
0x0: {  	(pc) =	sbr.rel $0x88, $3  }
0x1: {  	(tag) =	ssettag $0x0;
	lr =	simm.s32 $0x1  }
0x2: {  	[smem:$0x3F9F] =	sst lr;
	_ =	strace $0xD0000000  }
0x3: {  	_ = 	snop  }
0x4: {  	_ = 	snop  }
0x5: {  	_ = 	snop  }
0x6: {  	_ = 	snop  }
0x7: {  	_ = 	snop  }
__scs_overlays_trampoline_lowered:
0x8: {  	[smem:$0x3FAE] =	sst s0  }
0x9: {  	[smem:$0x3FAF] =	sst s1  }
0xa: {  	[smem:$0x3FB0] =	sst s2  }
0xb: {  	[smem:$0x3FB1] =	sst s3  }
0xc: {  	[smem:$0x3FB2] =	sst s4  }
0xd: {  	[smem:$0x3FB3] =	sst s5  }
0xe: {  	[smem:$0x3FB4] =	sst s6  }
0xf: {  	[smem:$0x3FB5] =	sst s7  }
0x10: {  	[smem:$0x3FB6] =	sst s8  }
0x11: {  	[smem:$0x3FB7] =	sst s9;
	s0 =	simm.s32 @!p0 $0x0  }
0x12: {  	s1 =	sld [smem:$0x3F9D];
	s0 =	simm.s32 @p0 $0x1  }
0x13: {  	[smem:$0x3FB8] =	sst s0;
	s0 =	simm.s32 @!p1 $0x0  }
0x14: {  	s2 =	sld [smem:$0x3F9C];
	s0 =	simm.s32 @p1 $0x1  }
0x15: {  	[smem:$0x3FB9] =	sst s0;
	s0 =	simm.s32 @!p2 $0x0  }
0x16: {  	s3 =	sld [smem:$0x3FDB];
	s0 =	simm.s32 @p2 $0x1  }
0x17: {  	s4 =	simm.s32 $0x1BF5;
	[smem:$0x3FBB] =	sst s0  }
0x18: {  	s0 =	sld [smem:$0x3F9E];
	_ =	swait.ge [sflag:s4], $0x0  }
0x19: {  	s7 =	sld [smem:$0x3F9F]  }
0x1a: {  	s8 =	sadd.s32 $0xFFFFE003, lr  }
0x1b: {  	s9 =	sadd.s32 $0xFFFFFEF7, lr;
	s5 =	simm.s32 $0xFFFFFFFF;
	p2 =	slt.u32 s8, $0xFFFFF086  }
0x1c: {  	p1 =	slt.u32 s9, $0xF7A;
	s5 =	simm.s32 @!p2 $0x0  }
0x1d: {  	s5 =	simm.s32 @p1 $0x1;
	p0 =	seq.s32 s7, s2  }
0x1e: {  	s7 =	smul.u32 @!p0 $0xF7A, s2;
	p2 =	seq.s32 @!p0 s5, $0x0  }
0x1f: {  	s9 =	smul.u32 $0xF7A, s1;
	s8 =	simm.s32 @!p0 $0x1BF5;
	p2 =	por !p2, p0  }
0x20: {  	[sflag:s8] =	ssyncset.s32 @!p0 $0xFFFFF086;
	s6 =	sadd.s32 @!p0 s3, s7;
	s7 =	simm.s32 @!p0 $0x108  }
0x21: {  	s3 =	sadd.s32 s3, s9;
	s6 =	sadd.s32 @!p0 $0x88, s6;
	s7 =	simm.s32 @p2 $0x1082  }
0x22: {  	[simem:s7], [sflag:s8] =	dma.local @!p0 [hbm:s6], $0xF7A  }
0x23: {  	s9 =	sor.u32 $0xD0000000, s2;
	s6 =	simm.s32 $0x108;
	_ =	swait.ge @!p0 [sflag:s8], $0x0  }
0x24: {  	s3 =	sadd.s32 $0x88, s3;
	s6 =	simm.s32 @!p1 $0x1082;
	[sflag:s4] =	ssyncset.s32 $0xFFFFF086  }
0x25: {  	[simem:s6], [sflag:s4] =	dma.local [hbm:s3], $0xF7A  }
0x26: {  	[smem:$0x3F9F] =	sst s1;
	(tag) =	ssettag s2;
	_ =	strace s9  }
0x27: {  	s1 =	sld [smem:$0x3FAF]  }
0x28: {  	s2 =	sld [smem:$0x3FB0]  }
0x29: {  	s4 =	sld [smem:$0x3FB2]  }
0x2a: {  	p0 =	seq.s32 s5, $0x0;
	s5 =	sld [smem:$0x3FB3]  }
0x2b: {  	s6 =	sld [smem:$0x3FB4]  }
0x2c: {  	s7 =	sld [smem:$0x3FB5]  }
0x2d: {  	s3 =	simm.s32 $0x108;
	s8 =	sld [smem:$0x3FB6]  }
0x2e: {  	s3 =	simm.s32 @!p0 $0x1082;
	s9 =	sld [smem:$0x3FB7]  }
0x2f: {  	lr =	sadd.s32 s0, s3;
	s0 =	sld [smem:$0x3FAE]  }
0x30: {  	s3 =	sld [smem:$0x3FB1]  }
0x31: {  	[smem:$0x3FBA] =	sst s10  }
0x32: {  	s10 =	sld [smem:$0x3FB8];
	_ =	sdelay $0x3  }
0x33: {  	p0 =	seq.s32 s10, $0x1;
	s10 =	sld [smem:$0x3FBA];
	_ =	sdelay $0x3  }
0x34: {  	[smem:$0x3FBA] =	sst s10  }
0x35: {  	s10 =	sld [smem:$0x3FB9];
	_ =	sdelay $0x3  }
0x36: {  	p1 =	seq.s32 s10, $0x1;
	s10 =	sld [smem:$0x3FBA];
	_ =	sdelay $0x3  }
0x37: {  	[smem:$0x3FBA] =	sst s10  }
0x38: {  	s10 =	sld [smem:$0x3FBB]  }
0x39: {  	_ = 	snop;
	(pc) =	sbr.ind lr, $3  }
0x3a: {  	_ = 	snop  }
0x3b: {  	_ = 	snop  }
0x3c: {  	p2 =	seq.s32 s10, $0x1;
	s10 =	sld [smem:$0x3FBA]  }
0x3d: {  	_ =	shalt  }
0x3e: {  	_ =	shalt  }
0x3f: {  	_ =	shalt  }
0x40: {  	_ =	shalt  }
0x41: {  	_ =	shalt  }
0x42: {  	_ =	shalt  }
0x43: {  	_ =	shalt  }
0x44: {  	_ =	shalt  }
0x45: {  	_ =	shalt  }
0x46: {  	_ =	shalt  }
0x47: {  	_ =	shalt  }
0x48: {  	_ =	shalt  }
0x49: {  	_ =	shalt  }
0x4a: {  	_ =	shalt  }
0x4b: {  	_ =	shalt  }
0x4c: {  	_ =	shalt  }
0x4d: {  	_ =	shalt  }
0x4e: {  	_ =	shalt  }
0x4f: {  	_ =	shalt  }
0x50: {  	_ =	shalt  }
0x51: {  	_ =	shalt  }
0x52: {  	_ =	shalt  }
0x53: {  	_ =	shalt  }
0x54: {  	_ =	shalt  }
0x55: {  	_ =	shalt  }
0x56: {  	_ =	shalt  }
0x57: {  	_ =	shalt  }
0x58: {  	_ =	shalt  }
0x59: {  	_ =	shalt  }
0x5a: {  	_ =	shalt  }
0x5b: {  	_ =	shalt  }
0x5c: {  	_ =	shalt  }
0x5d: {  	_ =	shalt  }
0x5e: {  	_ =	shalt  }
0x5f: {  	_ =	shalt  }
0x60: {  	_ =	shalt  }
0x61: {  	_ =	shalt  }
0x62: {  	_ =	shalt  }
0x63: {  	_ =	shalt  }
0x64: {  	_ =	shalt  }
0x65: {  	_ =	shalt  }
0x66: {  	_ =	shalt  }
0x67: {  	_ =	shalt  }
0x68: {  	_ =	shalt  }
0x69: {  	_ =	shalt  }
0x6a: {  	_ =	shalt  }
0x6b: {  	_ =	shalt  }
0x6c: {  	_ =	shalt  }
0x6d: {  	_ =	shalt  }
0x6e: {  	_ =	shalt  }
0x6f: {  	_ =	shalt  }
0x70: {  	_ =	shalt  }
0x71: {  	_ =	shalt  }
0x72: {  	_ =	shalt  }
0x73: {  	_ =	shalt  }
0x74: {  	_ =	shalt  }
0x75: {  	_ =	shalt  }
0x76: {  	_ =	shalt  }
0x77: {  	_ =	shalt  }
0x78: {  	_ =	shalt  }
0x79: {  	_ =	shalt  }
0x7a: {  	_ =	shalt  }
0x7b: {  	_ =	shalt  }
0x7c: {  	_ =	shalt  }
0x7d: {  	_ =	shalt  }
0x7e: {  	_ =	shalt  }
0x7f: {  	_ =	shalt  }
0x80: {  	_ =	shalt  }
0x81: {  	_ =	shalt  }
0x82: {  	_ =	shalt  }
0x83: {  	_ =	shalt  }
0x84: {  	_ =	shalt  }
0x85: {  	_ =	shalt  }
0x86: {  	_ =	shalt  }
0x87: {  	_ =	shalt  }
.Lfunc_end0:
.L_simem_size_0:
called_computation_lowered:
.L_overlay_start_0:
0x88: {  	s2 =	sld [smem:$0x3FD9]  }
0x89: {  	s3 =	sld [smem:$0x3FFE];
	_ =	sdelay $0x1  }
0x8a: {  	s1 =	srdreg.scid  }
0x8b: {  	s0 =	sand.u32 $0x1, s1  }
0x8c: {  	s18 =	sshll.u32 s0, $0xA;
	s2 =	sadd.s32 s3, s2  }
0x8d: {  	s2 =	sadd.s32 s2, s18  }
0x8e: {  	[smem:$0x3FC6] =	sst s2  }
0x8f: {  	_ = 	snop  }
0x90: {  	s2 =	sld [smem:$0x3FC9]  }
0x91: {  	s19 =	sld [smem:$0x3FC8]  }
0x92: {  	s4 =	sld [smem:$0x3FD0];
	(tm) =	ssettm $0x1  }
0x93: {  	s5 =	sld [smem:$0x3FFB];
	_ =	sdelay $0x3  }
0x94: {  	_ =	strace s5  }
0x95: {  	s5 =	sld [smem:$0x3FFC];
	_ =	sdelay $0x3  }
0x96: {  	_ =	strace s5  }
0x97: {  	s5 =	sld [smem:$0x3FFD];
	_ =	sdelay $0x3  }
0x98: {  	_ =	strace s5  }
0x99: {  	_ =	strace $0x8FFFFFFF  }
0x9a: {  	s20 =	sld [smem:$0x3FDB];
	_ =	sdelay $0x1  }
0x9b: {  	s6 =	simm.s32 $_scs_section_size  }
0x9c: {  	s7 =	simm.s32 $_size__tile_overlayer_lowered;
	s8 =	simm.s32 $_tile_overlayer_lowered  }
0x9d: {  	s23 =	simm.s32 $0x1BFF;
	s22 =	sshll.u32 s8, $0x1;
	s5 =	sadd.s32 s6, s20  }
0x9e: {  	s9 =	simm.s32 $0x0;
	s21 =	sshll.u32 s7, $0x1;
	s7 =	sadd.s32 s22, s5  }
0x9f: {  	[timem:s9], [sflag:s23] =	dma.local [hbm:s7], s21  }
0xa0: {  	_ =	swait.ge [sflag:s23], s21  }
0xa1: {  	s6 =	ssub.s32 $0x0, s21;
	[sflag:s23] =	ssyncset.done $0x0  }
0xa2: {  	[sflag:s23] =	ssyncadd.s32 s6;
	_ =	sdelay $0x1  }
0xa3: {  	s24 =	simm.s32 $0x1B8B  }
0xa4: {  	_ =	swait.ge [sflag:s24], $0x1  }
0xa5: {  	[sflag:s24] =	ssyncset.done $0x0  }
0xa6: {  	s25 =	simm.s32 $0x1B8E;
	[sflag:s24] =	ssyncadd.s32 $0xFFFFFFFF  }
0xa7: {  	s26 =	simm.s32 $execute0_lowered;
	[smem:$0x3FD2] =	sst s25  }
0xa8: {  	s6 =	sshll.u32 s26, $0x1;
	_ =	strace $0x80000046;
	[dreg:$0x1] =	wrdreg $0xFFFFFFFF  }
0xa9: {  	s28 =	simm.s32 $_size_execute0_lowered;
	s5 =	sadd.s32 s5, s6;
	[dreg:$0x0] =	wrdreg $0x0  }
0xaa: {  	s6 =	sshll.u32 s28, $0x1;
	[dreg:$0x2] =	wrdreg s5  }
0xab: {  	[dreg:$0x3] =	wrdreg s6  }
0xac: {  	[dreg:$0x4] =	wrdreg $0xC0  }
0xad: {  	_ =	task [dreg:s9], $0x5FFFF  }
0xae: {  	[dreg:$0x1] =	wrdreg $0xFFFFFFFF  }
0xaf: {  	[dreg:$0x0] =	wrdreg $0x60  }
0xb0: {  	[dreg:$0x2] =	wrdreg s2  }
0xb1: {  	[dreg:$0x3] =	wrdreg s19  }
0xb2: {  	[dreg:$0x4] =	wrdreg s4  }
0xb3: {  	[dreg:$0x5] =	wrdreg $0x9  }
0xb4: {  	_ =	task.clear_ibuf [dreg:s9], $0x6FFFF;
	_ =	strace $0x90000046  }
0xb5: {  	s29 =	simm.s32 $0x9;
	_ =	strace $0x80000048  }
0xb6: {  	_ =	swait.ge [sflag:s29], $0x1  }
0xb7: {  	[sflag:s29] =	ssyncadd.s32 $0xFFFFFFFF  }
0xb8: {  	_ =	strace $0x90000048  }
0xb9: {  	_ =	sfence  }
0xba: {  	s30 =	sld [smem:$0x0];
	_ =	sdelay $0x2  }
0xbb: {  	s31 =	sshll.u32 s1, $0xD;
	s1 =	sshrl.u32 s1, $0x2  }
0xbc: {  	s3 =	sand.u32 $0x4000, s31;
	s1 =	sadd.s32 s1, s30  }
0xbd: {  	s0 =	sor.u32 s3, s0;
	s1 =	sshll.u32 s1, $0x11  }
0xbe: {  	s0 =	sor.u32 s1, s0  }
0xbf: {  	s0 =	sadd.s32 $0x8F2B, s0  }
0xc0: {  	[sflag:s0] =	ssyncadd.remote.s32 $0x1  }
0xc1: {  	_ =	sfence.sel $0xFFFF  }
0xc2: {  	[dreg:$0x0] =	wrdreg $0xFFFFFFFF;
	(pc) =	sbr.abs _section_cstart, $3  }
0xc3: {  	[dreg:$0x1] =	wrdreg $0xFFFFFFFF  }
0xc4: {  	_ =	task.clear_ibuf [dreg:s9], $0x2FFFF;
	_ =	strace $0x9FFFFFFF  }
0xc5: {  	(tm) =	ssettm $0x7FFFFFFF  }
tec
execute0_lowered:
.L_overlay_start_1:
0x0: {  	(tag) =	ssettag $0x1  }
0x1: {  	s1 =	srdreg.scid;
	s29 =	stileid.u32  }
0x2: {  	s0 =	rddreg [dreg:$0x0];
	s1 =	sand.u32 $0x1, s1;
	s3 =	sshll.u32 s29, $0x1  }
0x3: {  	s5 =	rddreg [dreg:$0x1];
	s4 =	sor.u32 s1, s3  }
0x4: {  	s2 =	rddreg [dreg:$0x2];
	s4 =	smul.u32 $0x620, s4  }
0x5: {  	s28 =	simm.s32 $0x7800;
	p0 =	por $0x0, $0x0;
	s3 =	simm.s32 $0x0  }
0x6: {  	s1 =	ssub.s32 $0x2, s1;
	[smem:$0x7FF] =	sst s3;
	s6 =	smin.u32 s4, $0xBD30  }
0x7: {  	_ =	strace $0x80000047;
	s4 =	sshrl.u32 s1, $0x1;
	s7 =	sshrl.u32 s6, $0x3  }
0x8: {  	s8 =	sadd.s32 $0x70, s6;
	s10 =	sadd.s32 $0x150, s6;
	s12 =	sadd.s32 $0x1C0, s6  }
0x9: {  	s1 =	ssub.s32 s1, s4;
	s4 =	simm.s32 $0x100;
	s7 =	sadd.s32 s5, s7  }
0xa: {  	s9 =	sshrl.u32 s8, $0x3;
	s11 =	sshrl.u32 s10, $0x3;
	s16 =	sshrl.u32 s12, $0x3  }
0xb: {  	[dreg:$0x4] =	wrdreg s7;
	s13 =	sadd.s32 s5, s9;
	s9 =	sadd.s32 $0xE0, s6  }
0xc: {  	s15 =	sadd.s32 s5, s11;
	s17 =	sadd.s32 s5, s16;
	[dreg:$0x5] =	wrdreg s13  }
0xd: {  	s11 =	sadd.s32 $0x230, s6;
	s16 =	sadd.s32 $0x3F0, s6;
	[dreg:$0x7] =	wrdreg s15  }
0xe: {  	s14 =	sshrl.u32 s9, $0x3;
	[dreg:$0x8] =	wrdreg s17;
	s18 =	sshrl.u32 s11, $0x3  }
0xf: {  	s13 =	sadd.s32 $0x2A0, s6;
	s15 =	sadd.s32 $0x310, s6;
	s17 =	sshrl.u32 s16, $0x3  }
0x10: {  	s7 =	sadd.s32 s5, s14;
	s14 =	sshrl.u32 s13, $0x3;
	s20 =	sshrl.u32 s15, $0x3  }
0x11: {  	s23 =	sadd.s32 s5, s17;
	s17 =	sadd.s32 $0x4D0, s6;
	[dreg:$0x6] =	wrdreg s7  }
0x12: {  	s7 =	sadd.s32 s5, s18;
	s19 =	sadd.s32 s5, s14;
	[dreg:$0xd] =	wrdreg s23  }
0x13: {  	s21 =	sadd.s32 s5, s20;
	s14 =	sadd.s32 $0x380, s6;
	[dreg:$0x9] =	wrdreg s7  }
0x14: {  	s18 =	sadd.s32 $0x460, s6;
	s26 =	sshrl.u32 s17, $0x3;
	[dreg:$0xa] =	wrdreg s19  }
0x15: {  	[dreg:$0xb] =	wrdreg s21;
	s22 =	sshrl.u32 s14, $0x3;
	s24 =	sshrl.u32 s18, $0x3  }
0x16: {  	s19 =	sadd.s32 $0x540, s6;
	s21 =	sadd.s32 $0x5B0, s6;
	s6 =	sshll.u32 s6, $0x4  }
0x17: {  	s7 =	sadd.s32 s5, s22;
	s25 =	sadd.s32 s5, s24;
	s20 =	sshrl.u32 s19, $0x3  }
0x18: {  	s31 =	sshrl.u32 s21, $0x3;
	s22 =	sshll.u32 s8, $0x4;
	s24 =	sshll.u32 s9, $0x4  }
0x19: {  	s9 =	sshll.u32 s13, $0x4;
	s13 =	sshll.u32 s14, $0x4;
	[dreg:$0xc] =	wrdreg s7  }
0x1a: {  	[dreg:$0xe] =	wrdreg s25;
	s7 =	sadd.s32 s5, s26;
	s30 =	sadd.s32 s5, s20  }
0x1b: {  	s5 =	sadd.s32 s5, s31;
	s20 =	sadd.s32 s0, s6;
	[dreg:$0xf] =	wrdreg s7  }
0x1c: {  	s23 =	sadd.s32 s0, s22;
	s25 =	sadd.s32 s0, s24;
	[dreg:$0x10] =	wrdreg s30  }
0x1d: {  	s26 =	sshll.u32 s10, $0x4;
	s31 =	sshll.u32 s12, $0x4;
	[dreg:$0x11] =	wrdreg s5  }
0x1e: {  	s10 =	sadd.s32 s0, s9;
	s14 =	sadd.s32 s0, s13;
	[dreg:$0x12] =	wrdreg s20  }
0x1f: {  	s13 =	simm.s32 $0x2;
	s9 =	simm.s32 $0x8;
	[dreg:$0x13] =	wrdreg s23  }
0x20: {  	[dreg:$0x14] =	wrdreg s25;
	s30 =	sadd.s32 s0, s26;
	s6 =	sadd.s32 s0, s31  }
0x21: {  	s7 =	sshll.u32 s11, $0x4;
	s11 =	sshll.u32 s15, $0x4;
	[dreg:$0x18] =	wrdreg s10  }
0x22: {  	s15 =	sshll.u32 s16, $0x4;
	[dreg:$0x1a] =	wrdreg s14;
	s20 =	sshll.u32 s18, $0x4  }
0x23: {  	s23 =	sshll.u32 s17, $0x4;
	s25 =	sshll.u32 s19, $0x4;
	s31 =	smax.u32 s1, $0x1  }
0x24: {  	s10 =	simm.s32 $0x800;
	s5 =	simm.s32 $0x4000;
	s19 =	simm.s32 $0x12000  }
0x25: {  	s17 =	simm.s32 $0x7;
	s14 =	simm.s32 $0xD;
	[dreg:$0x15] =	wrdreg s30  }
0x26: {  	[dreg:$0x16] =	wrdreg s6;
	s8 =	sadd.s32 s0, s7;
	s12 =	sadd.s32 s0, s11  }
0x27: {  	s16 =	sadd.s32 s0, s15;
	s24 =	sadd.s32 s0, s23;
	s23 =	rddreg [dreg:$0x4]  }
0x28: {  	s22 =	sadd.s32 s0, s20;
	s26 =	sadd.s32 s0, s25;
	[dreg:$0x17] =	wrdreg s8  }
0x29: {  	s30 =	sshll.u32 s21, $0x4;
	s6 =	simm.s32 $0x80;
	[dreg:$0x19] =	wrdreg s12  }
0x2a: {  	s7 =	simm.s32 $0x70;
	s11 =	simm.s32 $0x3;
	[dreg:$0x1b] =	wrdreg s16  }
0x2b: {  	p1 =	sne.s32 s31, $0x1;
	s25 =	simm.s32 $0x4;
	[dreg:$0x1c] =	wrdreg s22  }
.Ltmp0:
0x2c: {  	s21 =	simm.s32 $0x5;
	[dreg:$0x1d] =	wrdreg s24;
	(pc) =	sbr.rel @!p1 .LBB2_5-.Ltmp0, $4  }
0x2d: {  	s20 =	simm.s32 $0x6;
	s15 =	simm.s32 $0xA;
	[dreg:$0x1e] =	wrdreg s26  }
0x2e: {  	s0 =	sadd.s32 s0, s30;
	s26 =	simm.s32 $0x200;
	s16 =	simm.s32 $0x1  }
0x2f: {  	s24 =	simm.s32 $0xB000;
	s12 =	sadd.s32 $0xFFFFFFFF, s31;
	s22 =	simm.s32 $0xE800  }
0x30: {  	s8 =	simm.s32 $0x9;
	[dreg:$0x1f] =	wrdreg s0;
	s0 =	simm.s32 $0x180  }
0x31: {  	[tilespmem:s3], [sflag:$0x1] =	stream.linear.gather [hbm4b:s23+s3], $0x70, $0x38;
	[tilespmem:$0x15800] =	vst v63  }
0x32: {  	s18 =	rddreg [dreg:$0x5]  }
0x33: {  	[tilespmem:s6], [sflag:$0x1] =	stream.linear.gather [hbm4b:s18+s3], $0x70, $0x38;
	[tilespmem:$0x15800] =	vst v63  }
0x34: {  	s25 =	rddreg [dreg:$0x6]  }
0x35: {  	[tilespmem:s4], [sflag:$0x1] =	stream.linear.gather [hbm4b:s25+s3], $0x70, $0x38;
	[tilespmem:$0x15800] =	vst v63  }
0x36: {  	s30 =	rddreg [dreg:$0x7]  }
0x37: {  	[tilespmem:s0], [sflag:$0x1] =	stream.linear.gather [hbm4b:s30+s3], $0x70, $0x38;
	[tilespmem:$0x15800] =	vst v63  }
0x38: {  	s1 =	rddreg [dreg:$0x8]  }
0x39: {  	[tilespmem:s26], [sflag:$0x1] =	stream.linear.gather [hbm4b:s1+s3], $0x70, $0x38;
	[tilespmem:$0x15800] =	vst v63  }
0x3a: {  	s5 =	rddreg [dreg:$0x9];
	s30 =	simm.s32 $0x280  }
0x3b: {  	[tilespmem:s30], [sflag:$0x1] =	stream.linear.gather [hbm4b:s5+s3], $0x70, $0x38;
	[tilespmem:$0x15800] =	vst v63  }
0x3c: {  	s10 =	rddreg [dreg:$0xa];
	s1 =	simm.s32 $0x300  }
0x3d: {  	[tilespmem:s1], [sflag:$0x1] =	stream.linear.gather [hbm4b:s10+s3], $0x70, $0x38;
	[tilespmem:$0x15800] =	vst v63  }
0x3e: {  	s14 =	rddreg [dreg:$0xb];
	s15 =	simm.s32 $0x380  }
0x3f: {  	[tilespmem:s15], [sflag:$0x1] =	stream.linear.gather [hbm4b:s14+s3], $0x70, $0x38;
	[tilespmem:$0x15800] =	vst v63  }
0x40: {  	s17 =	rddreg [dreg:$0xc];
	s19 =	simm.s32 $0x400  }
0x41: {  	[tilespmem:s19], [sflag:$0x1] =	stream.linear.gather [hbm4b:s17+s3], $0x70, $0x38;
	[tilespmem:$0x15800] =	vst v63  }
0x42: {  	s20 =	rddreg [dreg:$0xd];
	s17 =	simm.s32 $0x480  }
0x43: {  	[tilespmem:s17], [sflag:$0x1] =	stream.linear.gather [hbm4b:s20+s3], $0x70, $0x38;
	[tilespmem:$0x15800] =	vst v63  }
0x44: {  	s25 =	rddreg [dreg:$0xe];
	s20 =	simm.s32 $0x500  }
0x45: {  	[tilespmem:s20], [sflag:$0x1] =	stream.linear.gather [hbm4b:s25+s3], $0x70, $0x38;
	[tilespmem:$0x15800] =	vst v63  }
0x46: {  	s18 =	rddreg [dreg:$0xf];
	s17 =	simm.s32 $0x580  }
0x47: {  	[tilespmem:s17], [sflag:$0x1] =	stream.linear.gather [hbm4b:s18+s3], $0x70, $0x38;
	[tilespmem:$0x15800] =	vst v63  }
0x48: {  	s23 =	rddreg [dreg:$0x10];
	s17 =	simm.s32 $0x600  }
0x49: {  	[tilespmem:s17], [sflag:$0x1] =	stream.linear.gather [hbm4b:s23+s3], $0x70, $0x38;
	[tilespmem:$0x15800] =	vst v63  }
0x4a: {  	s18 =	rddreg [dreg:$0x11];
	s17 =	simm.s32 $0x680  }
0x4b: {  	[tilespmem:s17], [sflag:$0x1] =	stream.linear.gather [hbm4b:s18+s3], $0x70, $0x38;
	[tilespmem:$0x15800] =	vst v63  }
0x4c: {  	s14 =	simm.s32 $0x800;
	s23 =	rddreg [dreg:$0x12]  }
0x4d: {  	[tilespmem:s14], [sflag:$0x2] =	stream.linear.gather [hbm4b:s23+s3], $0x3800, $0x38;
	[tilespmem:$0x15800] =	vst v63  }
0x4e: {  	s10 =	simm.s32 $0x4000;
	s18 =	rddreg [dreg:$0x13]  }
0x4f: {  	[tilespmem:s10], [sflag:$0x3] =	stream.linear.gather [hbm4b:s18+s3], $0x3800, $0x38;
	[tilespmem:$0x15800] =	vst v63  }
0x50: {  	_ =	swait.ge [sflag:s16], $0x70  }
0x51: {  	[sflag:s16] =	ssyncset.done $0x0  }
0x52: {  	[sflag:s16] =	ssyncadd.s32 $0xFFFFFF90  }
0x53: {  	_ =	swait.ge [sflag:s16], $0x70  }
0x54: {  	[sflag:s16] =	ssyncset.done $0x0  }
0x55: {  	[sflag:s16] =	ssyncadd.s32 $0xFFFFFF90  }
0x56: {  	_ =	swait.ge [sflag:s16], $0x70  }
0x57: {  	[sflag:s16] =	ssyncset.done $0x0  }
0x58: {  	[sflag:s16] =	ssyncadd.s32 $0xFFFFFF90  }
0x59: {  	_ =	swait.ge [sflag:s16], $0x70  }
0x5a: {  	[sflag:s16] =	ssyncset.done $0x0  }
0x5b: {  	[sflag:s16] =	ssyncadd.s32 $0xFFFFFF90  }
0x5c: {  	_ =	swait.ge [sflag:s16], $0x70  }
0x5d: {  	[sflag:s16] =	ssyncset.done $0x0  }
0x5e: {  	[sflag:s16] =	ssyncadd.s32 $0xFFFFFF90  }
0x5f: {  	_ =	swait.ge [sflag:s16], $0x70  }
0x60: {  	[sflag:s16] =	ssyncset.done $0x0  }
0x61: {  	[sflag:s16] =	ssyncadd.s32 $0xFFFFFF90  }
0x62: {  	_ =	swait.ge [sflag:s16], $0x70  }
0x63: {  	[sflag:s16] =	ssyncset.done $0x0  }
0x64: {  	[sflag:s16] =	ssyncadd.s32 $0xFFFFFF90  }
0x65: {  	_ =	swait.ge [sflag:s16], $0x70  }
0x66: {  	[sflag:s16] =	ssyncset.done $0x0  }
0x67: {  	[sflag:s16] =	ssyncadd.s32 $0xFFFFFF90  }
0x68: {  	_ =	swait.ge [sflag:s16], $0x70  }
0x69: {  	[sflag:s16] =	ssyncset.done $0x0  }
0x6a: {  	[sflag:s16] =	ssyncadd.s32 $0xFFFFFF90  }
0x6b: {  	_ =	swait.ge [sflag:s16], $0x70  }
0x6c: {  	[sflag:s16] =	ssyncset.done $0x0  }
0x6d: {  	[sflag:s16] =	ssyncadd.s32 $0xFFFFFF90  }
0x6e: {  	_ =	swait.ge [sflag:s16], $0x70  }
0x6f: {  	[sflag:s16] =	ssyncset.done $0x0  }
0x70: {  	[sflag:s16] =	ssyncadd.s32 $0xFFFFFF90  }
0x71: {  	_ =	swait.ge [sflag:s16], $0x70  }
0x72: {  	[sflag:s16] =	ssyncset.done $0x0  }
0x73: {  	[sflag:s16] =	ssyncadd.s32 $0xFFFFFF90  }
0x74: {  	_ =	swait.ge [sflag:s16], $0x70  }
0x75: {  	[sflag:s16] =	ssyncset.done $0x0  }
0x76: {  	[sflag:s16] =	ssyncadd.s32 $0xFFFFFF90  }
0x77: {  	_ =	swait.ge [sflag:s16], $0x70  }
0x78: {  	[sflag:s16] =	ssyncset.done $0x0  }
0x79: {  	s5 =	simm.s32 $0x7800;
	s23 =	rddreg [dreg:$0x14];
	[sflag:s16] =	ssyncadd.s32 $0xFFFFFF90  }
0x7a: {  	[tilespmem:s5], [sflag:$0x4] =	stream.linear.gather [hbm4b:s23+s3], $0x3800, $0x38;
	[tilespmem:$0x15800] =	vst v63  }
0x7b: {  	_ =	swait.ge [sflag:s13], $0x3800  }
0x7c: {  	[sflag:s13] =	ssyncset.done $0x0  }
0x7d: {  	[sflag:s13] =	ssyncadd.s32 $0xFFFFC800  }
0x7e: {  	[hbm4b:s2+s7] =	stream.indirect.scatter [tilespmem:s14], [sflag:$0x8], $0x80, s3, s7, $0xb8;
	[tilespmem:$0x15800] =	vst v63  }
0x7f: {  	s28 =	simm.s32 $0xB000;
	s23 =	rddreg [dreg:$0x15]  }
0x80: {  	[tilespmem:s28], [sflag:$0x5] =	stream.linear.gather [hbm4b:s23+s3], $0x3800, $0x38;
	[tilespmem:$0x15800] =	vst v63  }
0x81: {  	_ =	swait.ge [sflag:s11], $0x3800  }
0x82: {  	[sflag:s11] =	ssyncset.done $0x0  }
0x83: {  	[sflag:s11] =	ssyncadd.s32 $0xFFFFC800  }
0x84: {  	[hbm4b:s2+s7] =	stream.indirect.scatter [tilespmem:s10], [sflag:$0x9], $0x80, s6, s7, $0xb8;
	[tilespmem:$0x15800] =	vst v63  }
0x85: {  	s24 =	simm.s32 $0xE800;
	s20 =	simm.s32 $0x4;
	s23 =	rddreg [dreg:$0x16]  }
0x86: {  	[tilespmem:s24], [sflag:$0x6] =	stream.linear.gather [hbm4b:s23+s3], $0x3800, $0x38;
	[tilespmem:$0x15800] =	vst v63  }
0x87: {  	_ =	swait.ge [sflag:s20], $0x3800  }
0x88: {  	[sflag:s20] =	ssyncset.done $0x0  }
0x89: {  	[sflag:s20] =	ssyncadd.s32 $0xFFFFC800  }
0x8a: {  	[hbm4b:s2+s7] =	stream.indirect.scatter [tilespmem:s5], [sflag:$0xA], $0x80, s4, s7, $0xb8;
	[tilespmem:$0x15800] =	vst v63  }
0x8b: {  	s22 =	simm.s32 $0x12000;
	s31 =	simm.s32 $0x5;
	s23 =	rddreg [dreg:$0x17]  }
0x8c: {  	[tilespmem:s22], [sflag:$0x7] =	stream.linear.gather [hbm4b:s23+s3], $0x3800, $0x38;
	[tilespmem:$0x15800] =	vst v63  }
0x8d: {  	_ =	swait.ge [sflag:s31], $0x3800  }
0x8e: {  	[sflag:s31] =	ssyncset.done $0x0  }
0x8f: {  	[sflag:s31] =	ssyncadd.s32 $0xFFFFC800  }
0x90: {  	[hbm4b:s2+s7] =	stream.indirect.scatter [tilespmem:s28], [sflag:$0xB], $0x80, s0, s7, $0xb8;
	[tilespmem:$0x15800] =	vst v63  }
0x91: {  	_ =	swait.ge [sflag:s9], $0x3800  }
0x92: {  	s29 =	simm.s32 $0x6;
	[sflag:s9] =	ssyncset.done $0x0  }
0x93: {  	s10 =	simm.s32 $0x800;
	s23 =	rddreg [dreg:$0x18];
	[sflag:s9] =	ssyncadd.s32 $0xFFFFC800  }
0x94: {  	[tilespmem:s10], [sflag:$0x2] =	stream.linear.gather [hbm4b:s23+s3], $0x3800, $0x38;
	[tilespmem:$0x15800] =	vst v63  }
0x95: {  	_ =	swait.ge [sflag:s29], $0x3800  }
0x96: {  	[sflag:s29] =	ssyncset.done $0x0  }
0x97: {  	[sflag:s29] =	ssyncadd.s32 $0xFFFFC800  }
0x98: {  	[hbm4b:s2+s7] =	stream.indirect.scatter [tilespmem:s24], [sflag:$0xC], $0x80, s26, s7, $0xb8;
	[tilespmem:$0x15800] =	vst v63  }
0x99: {  	_ =	swait.ge [sflag:s8], $0x3800  }
0x9a: {  	s25 =	simm.s32 $0x7;
	[sflag:s8] =	ssyncset.done $0x0  }
0x9b: {  	s5 =	simm.s32 $0x4000;
	s23 =	rddreg [dreg:$0x19];
	[sflag:s8] =	ssyncadd.s32 $0xFFFFC800  }
0x9c: {  	[tilespmem:s5], [sflag:$0x3] =	stream.linear.gather [hbm4b:s23+s3], $0x3800, $0x38;
	[tilespmem:$0x15800] =	vst v63  }
0x9d: {  	_ =	swait.ge [sflag:s25], $0x3800  }
0x9e: {  	[sflag:s25] =	ssyncset.done $0x0  }
0x9f: {  	s21 =	simm.s32 $0xA;
	[sflag:s25] =	ssyncadd.s32 $0xFFFFC800  }
0xa0: {  	[hbm4b:s2+s7] =	stream.indirect.scatter [tilespmem:s22], [sflag:$0xD], $0x80, s30, s7, $0xb8;
	[tilespmem:$0x15800] =	vst v63  }
0xa1: {  	_ =	swait.ge [sflag:s21], $0x3800  }
0xa2: {  	[sflag:s21] =	ssyncset.done $0x0  }
0xa3: {  	s28 =	simm.s32 $0x7800;
	s30 =	rddreg [dreg:$0x1a];
	[sflag:s21] =	ssyncadd.s32 $0xFFFFC800  }
0xa4: {  	[tilespmem:s28], [sflag:$0x4] =	stream.linear.gather [hbm4b:s30+s3], $0x3800, $0x38;
	[tilespmem:$0x15800] =	vst v63  }
0xa5: {  	_ =	swait.ge [sflag:s13], $0x3800  }
0xa6: {  	[sflag:s13] =	ssyncset.done $0x0  }
0xa7: {  	s23 =	simm.s32 $0xB;
	[sflag:s13] =	ssyncadd.s32 $0xFFFFC800  }
0xa8: {  	[hbm4b:s2+s7] =	stream.indirect.scatter [tilespmem:s10], [sflag:$0x8], $0x80, s1, s7, $0xb8;
	[tilespmem:$0x15800] =	vst v63  }
0xa9: {  	_ =	swait.ge [sflag:s23], $0x3800  }
0xaa: {  	[sflag:s23] =	ssyncset.done $0x0  }
0xab: {  	s24 =	simm.s32 $0xB000;
	s21 =	rddreg [dreg:$0x1b];
	[sflag:s23] =	ssyncadd.s32 $0xFFFFC800  }
0xac: {  	[tilespmem:s24], [sflag:$0x5] =	stream.linear.gather [hbm4b:s21+s3], $0x3800, $0x38;
	[tilespmem:$0x15800] =	vst v63  }
0xad: {  	_ =	swait.ge [sflag:s11], $0x3800  }
0xae: {  	[sflag:s11] =	ssyncset.done $0x0  }
0xaf: {  	s1 =	simm.s32 $0xC;
	[sflag:s11] =	ssyncadd.s32 $0xFFFFC800  }
0xb0: {  	[hbm4b:s2+s7] =	stream.indirect.scatter [tilespmem:s5], [sflag:$0x9], $0x80, s15, s7, $0xb8;
	[tilespmem:$0x15800] =	vst v63  }
0xb1: {  	_ =	swait.ge [sflag:s1], $0x3800  }
0xb2: {  	[sflag:s1] =	ssyncset.done $0x0  }
0xb3: {  	s22 =	simm.s32 $0xE800;
	s30 =	rddreg [dreg:$0x1c];
	[sflag:s1] =	ssyncadd.s32 $0xFFFFC800  }
0xb4: {  	[tilespmem:s22], [sflag:$0x6] =	stream.linear.gather [hbm4b:s30+s3], $0x3800, $0x38;
	[tilespmem:$0x15800] =	vst v63  }
0xb5: {  	_ =	swait.ge [sflag:s20], $0x3800  }
0xb6: {  	[sflag:s20] =	ssyncset.done $0x0  }
0xb7: {  	s14 =	simm.s32 $0xD;
	[sflag:s20] =	ssyncadd.s32 $0xFFFFC800  }
0xb8: {  	[hbm4b:s2+s7] =	stream.indirect.scatter [tilespmem:s28], [sflag:$0xA], $0x80, s19, s7, $0xb8;
	[tilespmem:$0x15800] =	vst v63  }
0xb9: {  	_ =	swait.ge [sflag:s14], $0x3800  }
0xba: {  	[sflag:s14] =	ssyncset.done $0x0  }
0xbb: {  	s19 =	simm.s32 $0x12000;
	s15 =	rddreg [dreg:$0x1d];
	[sflag:s14] =	ssyncadd.s32 $0xFFFFC800  }
0xbc: {  	[tilespmem:s19], [sflag:$0x7] =	stream.linear.gather [hbm4b:s15+s3], $0x3800, $0x38;
	[tilespmem:$0x15800] =	vst v63  }
0xbd: {  	_ =	swait.ge [sflag:s31], $0x3800  }
0xbe: {  	[sflag:s31] =	ssyncset.done $0x0  }
0xbf: {  	s21 =	simm.s32 $0x480;
	[sflag:s31] =	ssyncadd.s32 $0xFFFFC800  }
0xc0: {  	[hbm4b:s2+s7] =	stream.indirect.scatter [tilespmem:s24], [sflag:$0xB], $0x80, s21, s7, $0xb8;
	[tilespmem:$0x15800] =	vst v63  }
0xc1: {  	_ =	swait.ge [sflag:s9], $0x3800  }
0xc2: {  	[sflag:s9] =	ssyncset.done $0x0  }
0xc3: {  	s30 =	rddreg [dreg:$0x1e];
	[sflag:s9] =	ssyncadd.s32 $0xFFFFC800  }
0xc4: {  	[tilespmem:s10], [sflag:$0x2] =	stream.linear.gather [hbm4b:s30+s3], $0x3800, $0x38;
	[tilespmem:$0x15800] =	vst v63  }
0xc5: {  	_ =	swait.ge [sflag:s29], $0x3800  }
0xc6: {  	[sflag:s29] =	ssyncset.done $0x0  }
0xc7: {  	s21 =	simm.s32 $0x500;
	[sflag:s29] =	ssyncadd.s32 $0xFFFFC800  }
0xc8: {  	[hbm4b:s2+s7] =	stream.indirect.scatter [tilespmem:s22], [sflag:$0xC], $0x80, s21, s7, $0xb8;
	[tilespmem:$0x15800] =	vst v63  }
0xc9: {  	_ =	swait.ge [sflag:s8], $0x3800  }
0xca: {  	[sflag:s8] =	ssyncset.done $0x0  }
0xcb: {  	s30 =	rddreg [dreg:$0x1f];
	[sflag:s8] =	ssyncadd.s32 $0xFFFFC800  }
0xcc: {  	[tilespmem:s5], [sflag:$0x3] =	stream.linear.gather [hbm4b:s30+s3], $0x3800, $0x38;
	[tilespmem:$0x15800] =	vst v63  }
0xcd: {  	_ =	swait.ge [sflag:s25], $0x3800  }
0xce: {  	[sflag:s25] =	ssyncset.done $0x0  }
0xcf: {  	s15 =	simm.s32 $0xA;
	s21 =	simm.s32 $0x580;
	[sflag:s25] =	ssyncadd.s32 $0xFFFFC800  }
0xd0: {  	[hbm4b:s2+s7] =	stream.indirect.scatter [tilespmem:s19], [sflag:$0xD], $0x80, s21, s7, $0xb8;
	[tilespmem:$0x15800] =	vst v63  }
0xd1: {  	_ =	swait.ge [sflag:s15], $0x3800  }
0xd2: {  	[sflag:s15] =	ssyncset.done $0x0  }
0xd3: {  	[sflag:s15] =	ssyncadd.s32 $0xFFFFC800  }
0xd4: {  	_ =	swait.ge [sflag:s13], $0x3800  }
0xd5: {  	[sflag:s13] =	ssyncset.done $0x0  }
0xd6: {  	s30 =	simm.s32 $0x600;
	[sflag:s13] =	ssyncadd.s32 $0xFFFFC800  }
0xd7: {  	[hbm4b:s2+s7] =	stream.indirect.scatter [tilespmem:s10], [sflag:$0x8], $0x80, s30, s7, $0xb8;
	[tilespmem:$0x15800] =	vst v63  }
0xd8: {  	_ =	swait.ge [sflag:s23], $0x3800  }
0xd9: {  	[sflag:s23] =	ssyncset.done $0x0  }
0xda: {  	[sflag:s23] =	ssyncadd.s32 $0xFFFFC800  }
0xdb: {  	_ =	swait.ge [sflag:s11], $0x3800  }
0xdc: {  	[sflag:s11] =	ssyncset.done $0x0  }
0xdd: {  	s17 =	simm.s32 $0x680;
	[sflag:s11] =	ssyncadd.s32 $0xFFFFC800  }
0xde: {  	[hbm4b:s2+s7] =	stream.indirect.scatter [tilespmem:s5], [sflag:$0x9], $0x80, s17, s7, $0xb8;
	[tilespmem:$0x15800] =	vst v63  }
0xdf: {  	_ =	swait.ge [sflag:s1], $0x3800  }
0xe0: {  	[sflag:s1] =	ssyncset.done $0x0  }
0xe1: {  	[sflag:s1] =	ssyncadd.s32 $0xFFFFC800  }
0xe2: {  	_ =	swait.ge [sflag:s14], $0x3800  }
0xe3: {  	[sflag:s14] =	ssyncset.done $0x0  }
0xe4: {  	p1 =	sne.s32 s12, $0x1;
	[sflag:s14] =	ssyncadd.s32 $0xFFFFC800  }
.Ltmp1:
0xe5: {  	_ =	swait.ge [sflag:s9], $0x3800;
	(pc) =	sbr.rel @!p1 .LBB2_6-.Ltmp1, $4  }
0xe6: {  	[sflag:s9] =	ssyncset.done $0x0  }
0xe7: {  	[sflag:s9] =	ssyncadd.s32 $0xFFFFC800  }
0xe8: {  	p0 =	por $0x1, $0x1;
	_ =	swait.ge [sflag:s8], $0x3800  }
0xe9: {  	s18 =	sadd.s32 $0xFFFFFFFF, s12;
	s23 =	rddreg [dreg:$0x4];
	[sflag:s8] =	ssyncset.done $0x0  }
0xea: {  	s21 =	simm.s32 $0xA  }
.LBB2_3:
0xeb: {  	[sflag:s8] =	ssyncadd.s32 $0xFFFFC800  }
0xec: {  	[tilespmem:s3], [sflag:$0x1] =	stream.linear.gather [hbm4b:s23+s3], $0x70, $0x38;
	[tilespmem:$0x15800] =	vst v63  }
0xed: {  	s12 =	simm.s32 $0x80;
	s26 =	rddreg [dreg:$0x5]  }
0xee: {  	[tilespmem:s12], [sflag:$0x1] =	stream.linear.gather [hbm4b:s26+s3], $0x70, $0x38;
	[tilespmem:$0x15800] =	vst v63  }
0xef: {  	s6 =	simm.s32 $0x100;
	s30 =	rddreg [dreg:$0x6]  }
0xf0: {  	[tilespmem:s6], [sflag:$0x1] =	stream.linear.gather [hbm4b:s30+s3], $0x70, $0x38;
	[tilespmem:$0x15800] =	vst v63  }
0xf1: {  	s4 =	simm.s32 $0x180;
	s1 =	rddreg [dreg:$0x7]  }
0xf2: {  	[tilespmem:s4], [sflag:$0x1] =	stream.linear.gather [hbm4b:s1+s3], $0x70, $0x38;
	[tilespmem:$0x15800] =	vst v63  }
0xf3: {  	s0 =	simm.s32 $0x200;
	s5 =	rddreg [dreg:$0x8]  }
0xf4: {  	[tilespmem:s0], [sflag:$0x1] =	stream.linear.gather [hbm4b:s5+s3], $0x70, $0x38;
	[tilespmem:$0x15800] =	vst v63  }
0xf5: {  	s10 =	rddreg [dreg:$0x9];
	s30 =	simm.s32 $0x280  }
0xf6: {  	[tilespmem:s30], [sflag:$0x1] =	stream.linear.gather [hbm4b:s10+s3], $0x70, $0x38;
	[tilespmem:$0x15800] =	vst v63  }
0xf7: {  	s12 =	rddreg [dreg:$0xa];
	s1 =	simm.s32 $0x300  }
0xf8: {  	[tilespmem:s1], [sflag:$0x1] =	stream.linear.gather [hbm4b:s12+s3], $0x70, $0x38;
	[tilespmem:$0x15800] =	vst v63  }
0xf9: {  	s14 =	rddreg [dreg:$0xb];
	s12 =	simm.s32 $0x380  }
0xfa: {  	[tilespmem:s12], [sflag:$0x1] =	stream.linear.gather [hbm4b:s14+s3], $0x70, $0x38;
	[tilespmem:$0x15800] =	vst v63  }
0xfb: {  	s15 =	rddreg [dreg:$0xc];
	s19 =	simm.s32 $0x400  }
0xfc: {  	[tilespmem:s19], [sflag:$0x1] =	stream.linear.gather [hbm4b:s15+s3], $0x70, $0x38;
	[tilespmem:$0x15800] =	vst v63  }
0xfd: {  	s17 =	rddreg [dreg:$0xd];
	s15 =	simm.s32 $0x480  }
0xfe: {  	[tilespmem:s15], [sflag:$0x1] =	stream.linear.gather [hbm4b:s17+s3], $0x70, $0x38;
	[tilespmem:$0x15800] =	vst v63  }
0xff: {  	s23 =	rddreg [dreg:$0xe];
	s17 =	simm.s32 $0x500  }
0x100: {  	[tilespmem:s17], [sflag:$0x1] =	stream.linear.gather [hbm4b:s23+s3], $0x70, $0x38;
	[tilespmem:$0x15800] =	vst v63  }
0x101: {  	s26 =	rddreg [dreg:$0xf];
	s17 =	simm.s32 $0x580  }
0x102: {  	[tilespmem:s17], [sflag:$0x1] =	stream.linear.gather [hbm4b:s26+s3], $0x70, $0x38;
	[tilespmem:$0x15800] =	vst v63  }
0x103: {  	s23 =	rddreg [dreg:$0x10];
	s17 =	simm.s32 $0x600  }
0x104: {  	[tilespmem:s17], [sflag:$0x1] =	stream.linear.gather [hbm4b:s23+s3], $0x70, $0x38;
	[tilespmem:$0x15800] =	vst v63  }
0x105: {  	s26 =	rddreg [dreg:$0x11];
	s17 =	simm.s32 $0x680  }
0x106: {  	[tilespmem:s17], [sflag:$0x1] =	stream.linear.gather [hbm4b:s26+s3], $0x70, $0x38;
	[tilespmem:$0x15800] =	vst v63  }
0x107: {  	s14 =	simm.s32 $0x800;
	s23 =	rddreg [dreg:$0x12]  }
0x108: {  	[tilespmem:s14], [sflag:$0x2] =	stream.linear.gather [hbm4b:s23+s3], $0x3800, $0x38;
	[tilespmem:$0x15800] =	vst v63  }
0x109: {  	s10 =	simm.s32 $0x4000;
	s26 =	rddreg [dreg:$0x13]  }
0x10a: {  	[tilespmem:s10], [sflag:$0x3] =	stream.linear.gather [hbm4b:s26+s3], $0x3800, $0x38;
	[tilespmem:$0x15800] =	vst v63  }
0x10b: {  	_ =	swait.ge [sflag:s16], $0x70  }
0x10c: {  	[sflag:s16] =	ssyncset.done $0x0  }
0x10d: {  	[sflag:s16] =	ssyncadd.s32 $0xFFFFFF90  }
0x10e: {  	_ =	swait.ge [sflag:s16], $0x70  }
0x10f: {  	[sflag:s16] =	ssyncset.done $0x0  }
0x110: {  	[sflag:s16] =	ssyncadd.s32 $0xFFFFFF90  }
0x111: {  	_ =	swait.ge [sflag:s16], $0x70  }
0x112: {  	[sflag:s16] =	ssyncset.done $0x0  }
0x113: {  	[sflag:s16] =	ssyncadd.s32 $0xFFFFFF90  }
0x114: {  	_ =	swait.ge [sflag:s16], $0x70  }
0x115: {  	[sflag:s16] =	ssyncset.done $0x0  }
0x116: {  	[sflag:s16] =	ssyncadd.s32 $0xFFFFFF90  }
0x117: {  	_ =	swait.ge [sflag:s16], $0x70  }
0x118: {  	[sflag:s16] =	ssyncset.done $0x0  }
0x119: {  	[sflag:s16] =	ssyncadd.s32 $0xFFFFFF90  }
0x11a: {  	_ =	swait.ge [sflag:s16], $0x70  }
0x11b: {  	[sflag:s16] =	ssyncset.done $0x0  }
0x11c: {  	[sflag:s16] =	ssyncadd.s32 $0xFFFFFF90  }
0x11d: {  	_ =	swait.ge [sflag:s16], $0x70  }
0x11e: {  	[sflag:s16] =	ssyncset.done $0x0  }
0x11f: {  	[sflag:s16] =	ssyncadd.s32 $0xFFFFFF90  }
0x120: {  	_ =	swait.ge [sflag:s16], $0x70  }
0x121: {  	[sflag:s16] =	ssyncset.done $0x0  }
0x122: {  	[sflag:s16] =	ssyncadd.s32 $0xFFFFFF90  }
0x123: {  	_ =	swait.ge [sflag:s16], $0x70  }
0x124: {  	[sflag:s16] =	ssyncset.done $0x0  }
0x125: {  	[sflag:s16] =	ssyncadd.s32 $0xFFFFFF90  }
0x126: {  	_ =	swait.ge [sflag:s16], $0x70  }
0x127: {  	[sflag:s16] =	ssyncset.done $0x0  }
0x128: {  	[sflag:s16] =	ssyncadd.s32 $0xFFFFFF90  }
0x129: {  	_ =	swait.ge [sflag:s16], $0x70  }
0x12a: {  	[sflag:s16] =	ssyncset.done $0x0  }
0x12b: {  	[sflag:s16] =	ssyncadd.s32 $0xFFFFFF90  }
0x12c: {  	_ =	swait.ge [sflag:s16], $0x70  }
0x12d: {  	[sflag:s16] =	ssyncset.done $0x0  }
0x12e: {  	[sflag:s16] =	ssyncadd.s32 $0xFFFFFF90  }
0x12f: {  	_ =	swait.ge [sflag:s16], $0x70  }
0x130: {  	[sflag:s16] =	ssyncset.done $0x0  }
0x131: {  	[sflag:s16] =	ssyncadd.s32 $0xFFFFFF90  }
0x132: {  	_ =	swait.ge [sflag:s16], $0x70  }
0x133: {  	[sflag:s16] =	ssyncset.done $0x0  }
0x134: {  	s5 =	simm.s32 $0x7800;
	s23 =	rddreg [dreg:$0x14];
	[sflag:s16] =	ssyncadd.s32 $0xFFFFFF90  }
0x135: {  	[tilespmem:s5], [sflag:$0x4] =	stream.linear.gather [hbm4b:s23+s3], $0x3800, $0x38;
	[tilespmem:$0x15800] =	vst v63  }
0x136: {  	_ =	swait.ge [sflag:s13], $0x3800  }
0x137: {  	[sflag:s13] =	ssyncset.done $0x0  }
0x138: {  	[sflag:s13] =	ssyncadd.s32 $0xFFFFC800  }
0x139: {  	[hbm4b:s2+s7] =	stream.indirect.scatter [tilespmem:s14], [sflag:$0x8], $0x80, s3, s7, $0xb8;
	[tilespmem:$0x15800] =	vst v63  }
0x13a: {  	s28 =	simm.s32 $0xB000;
	s23 =	rddreg [dreg:$0x15]  }
0x13b: {  	[tilespmem:s28], [sflag:$0x5] =	stream.linear.gather [hbm4b:s23+s3], $0x3800, $0x38;
	[tilespmem:$0x15800] =	vst v63  }
0x13c: {  	_ =	swait.ge [sflag:s11], $0x3800  }
0x13d: {  	[sflag:s11] =	ssyncset.done $0x0  }
0x13e: {  	s6 =	simm.s32 $0x80;
	[sflag:s11] =	ssyncadd.s32 $0xFFFFC800  }
0x13f: {  	[hbm4b:s2+s7] =	stream.indirect.scatter [tilespmem:s10], [sflag:$0x9], $0x80, s6, s7, $0xb8;
	[tilespmem:$0x15800] =	vst v63  }
0x140: {  	s24 =	simm.s32 $0xE800;
	s23 =	rddreg [dreg:$0x16]  }
0x141: {  	[tilespmem:s24], [sflag:$0x6] =	stream.linear.gather [hbm4b:s23+s3], $0x3800, $0x38;
	[tilespmem:$0x15800] =	vst v63  }
0x142: {  	_ =	swait.ge [sflag:s20], $0x3800  }
0x143: {  	[sflag:s20] =	ssyncset.done $0x0  }
0x144: {  	s4 =	simm.s32 $0x100;
	[sflag:s20] =	ssyncadd.s32 $0xFFFFC800  }
0x145: {  	[hbm4b:s2+s7] =	stream.indirect.scatter [tilespmem:s5], [sflag:$0xA], $0x80, s4, s7, $0xb8;
	[tilespmem:$0x15800] =	vst v63  }
0x146: {  	s22 =	simm.s32 $0x12000;
	s23 =	rddreg [dreg:$0x17]  }
0x147: {  	[tilespmem:s22], [sflag:$0x7] =	stream.linear.gather [hbm4b:s23+s3], $0x3800, $0x38;
	[tilespmem:$0x15800] =	vst v63  }
0x148: {  	_ =	swait.ge [sflag:s31], $0x3800  }
0x149: {  	[sflag:s31] =	ssyncset.done $0x0  }
0x14a: {  	s0 =	simm.s32 $0x180;
	[sflag:s31] =	ssyncadd.s32 $0xFFFFC800  }
0x14b: {  	[hbm4b:s2+s7] =	stream.indirect.scatter [tilespmem:s28], [sflag:$0xB], $0x80, s0, s7, $0xb8;
	[tilespmem:$0x15800] =	vst v63  }
0x14c: {  	_ =	swait.ge [sflag:s9], $0x3800  }
0x14d: {  	[sflag:s9] =	ssyncset.done $0x0  }
0x14e: {  	s10 =	simm.s32 $0x800;
	s23 =	rddreg [dreg:$0x18];
	[sflag:s9] =	ssyncadd.s32 $0xFFFFC800  }
0x14f: {  	[tilespmem:s10], [sflag:$0x2] =	stream.linear.gather [hbm4b:s23+s3], $0x3800, $0x38;
	[tilespmem:$0x15800] =	vst v63  }
0x150: {  	_ =	swait.ge [sflag:s29], $0x3800  }
0x151: {  	[sflag:s29] =	ssyncset.done $0x0  }
0x152: {  	s26 =	simm.s32 $0x200;
	[sflag:s29] =	ssyncadd.s32 $0xFFFFC800  }
0x153: {  	[hbm4b:s2+s7] =	stream.indirect.scatter [tilespmem:s24], [sflag:$0xC], $0x80, s26, s7, $0xb8;
	[tilespmem:$0x15800] =	vst v63  }
0x154: {  	_ =	swait.ge [sflag:s8], $0x3800  }
0x155: {  	[sflag:s8] =	ssyncset.done $0x0  }
0x156: {  	s5 =	simm.s32 $0x4000;
	s23 =	rddreg [dreg:$0x19];
	[sflag:s8] =	ssyncadd.s32 $0xFFFFC800  }
0x157: {  	[tilespmem:s5], [sflag:$0x3] =	stream.linear.gather [hbm4b:s23+s3], $0x3800, $0x38;
	[tilespmem:$0x15800] =	vst v63  }
0x158: {  	_ =	swait.ge [sflag:s25], $0x3800  }
0x159: {  	[sflag:s25] =	ssyncset.done $0x0  }
0x15a: {  	[sflag:s25] =	ssyncadd.s32 $0xFFFFC800  }
0x15b: {  	[hbm4b:s2+s7] =	stream.indirect.scatter [tilespmem:s22], [sflag:$0xD], $0x80, s30, s7, $0xb8;
	[tilespmem:$0x15800] =	vst v63  }
0x15c: {  	_ =	swait.ge [sflag:s21], $0x3800  }
0x15d: {  	[sflag:s21] =	ssyncset.done $0x0  }
0x15e: {  	s28 =	simm.s32 $0x7800;
	s23 =	rddreg [dreg:$0x1a];
	[sflag:s21] =	ssyncadd.s32 $0xFFFFC800  }
0x15f: {  	[tilespmem:s28], [sflag:$0x4] =	stream.linear.gather [hbm4b:s23+s3], $0x3800, $0x38;
	[tilespmem:$0x15800] =	vst v63  }
0x160: {  	_ =	swait.ge [sflag:s13], $0x3800  }
0x161: {  	[sflag:s13] =	ssyncset.done $0x0  }
0x162: {  	s30 =	simm.s32 $0xB;
	[sflag:s13] =	ssyncadd.s32 $0xFFFFC800  }
0x163: {  	[hbm4b:s2+s7] =	stream.indirect.scatter [tilespmem:s10], [sflag:$0x8], $0x80, s1, s7, $0xb8;
	[tilespmem:$0x15800] =	vst v63  }
0x164: {  	_ =	swait.ge [sflag:s30], $0x3800  }
0x165: {  	[sflag:s30] =	ssyncset.done $0x0  }
0x166: {  	s24 =	simm.s32 $0xB000;
	s23 =	rddreg [dreg:$0x1b];
	[sflag:s30] =	ssyncadd.s32 $0xFFFFC800  }
0x167: {  	[tilespmem:s24], [sflag:$0x5] =	stream.linear.gather [hbm4b:s23+s3], $0x3800, $0x38;
	[tilespmem:$0x15800] =	vst v63  }
0x168: {  	_ =	swait.ge [sflag:s11], $0x3800  }
0x169: {  	[sflag:s11] =	ssyncset.done $0x0  }
0x16a: {  	s1 =	simm.s32 $0xC;
	[sflag:s11] =	ssyncadd.s32 $0xFFFFC800  }
0x16b: {  	[hbm4b:s2+s7] =	stream.indirect.scatter [tilespmem:s5], [sflag:$0x9], $0x80, s12, s7, $0xb8;
	[tilespmem:$0x15800] =	vst v63  }
0x16c: {  	_ =	swait.ge [sflag:s1], $0x3800  }
0x16d: {  	[sflag:s1] =	ssyncset.done $0x0  }
0x16e: {  	s22 =	simm.s32 $0xE800;
	s12 =	rddreg [dreg:$0x1c];
	[sflag:s1] =	ssyncadd.s32 $0xFFFFC800  }
0x16f: {  	[tilespmem:s22], [sflag:$0x6] =	stream.linear.gather [hbm4b:s12+s3], $0x3800, $0x38;
	[tilespmem:$0x15800] =	vst v63  }
0x170: {  	_ =	swait.ge [sflag:s20], $0x3800  }
0x171: {  	[sflag:s20] =	ssyncset.done $0x0  }
0x172: {  	s14 =	simm.s32 $0xD;
	[sflag:s20] =	ssyncadd.s32 $0xFFFFC800  }
0x173: {  	[hbm4b:s2+s7] =	stream.indirect.scatter [tilespmem:s28], [sflag:$0xA], $0x80, s19, s7, $0xb8;
	[tilespmem:$0x15800] =	vst v63  }
0x174: {  	_ =	swait.ge [sflag:s14], $0x3800  }
0x175: {  	[sflag:s14] =	ssyncset.done $0x0  }
0x176: {  	s19 =	simm.s32 $0x12000;
	s12 =	rddreg [dreg:$0x1d];
	[sflag:s14] =	ssyncadd.s32 $0xFFFFC800  }
0x177: {  	[tilespmem:s19], [sflag:$0x7] =	stream.linear.gather [hbm4b:s12+s3], $0x3800, $0x38;
	[tilespmem:$0x15800] =	vst v63  }
0x178: {  	_ =	swait.ge [sflag:s31], $0x3800  }
0x179: {  	[sflag:s31] =	ssyncset.done $0x0  }
0x17a: {  	[sflag:s31] =	ssyncadd.s32 $0xFFFFC800  }
0x17b: {  	[hbm4b:s2+s7] =	stream.indirect.scatter [tilespmem:s24], [sflag:$0xB], $0x80, s15, s7, $0xb8;
	[tilespmem:$0x15800] =	vst v63  }
0x17c: {  	_ =	swait.ge [sflag:s9], $0x3800  }
0x17d: {  	[sflag:s9] =	ssyncset.done $0x0  }
0x17e: {  	s12 =	rddreg [dreg:$0x1e];
	[sflag:s9] =	ssyncadd.s32 $0xFFFFC800  }
0x17f: {  	[tilespmem:s10], [sflag:$0x2] =	stream.linear.gather [hbm4b:s12+s3], $0x3800, $0x38;
	[tilespmem:$0x15800] =	vst v63  }
0x180: {  	_ =	swait.ge [sflag:s29], $0x3800  }
0x181: {  	[sflag:s29] =	ssyncset.done $0x0  }
0x182: {  	s23 =	simm.s32 $0x500;
	[sflag:s29] =	ssyncadd.s32 $0xFFFFC800  }
0x183: {  	[hbm4b:s2+s7] =	stream.indirect.scatter [tilespmem:s22], [sflag:$0xC], $0x80, s23, s7, $0xb8;
	[tilespmem:$0x15800] =	vst v63  }
0x184: {  	_ =	swait.ge [sflag:s8], $0x3800  }
0x185: {  	[sflag:s8] =	ssyncset.done $0x0  }
0x186: {  	s12 =	rddreg [dreg:$0x1f];
	[sflag:s8] =	ssyncadd.s32 $0xFFFFC800  }
0x187: {  	[tilespmem:s5], [sflag:$0x3] =	stream.linear.gather [hbm4b:s12+s3], $0x3800, $0x38;
	[tilespmem:$0x15800] =	vst v63  }
0x188: {  	_ =	swait.ge [sflag:s25], $0x3800  }
0x189: {  	[sflag:s25] =	ssyncset.done $0x0  }
0x18a: {  	s15 =	simm.s32 $0xA;
	s23 =	simm.s32 $0x580;
	[sflag:s25] =	ssyncadd.s32 $0xFFFFC800  }
0x18b: {  	[hbm4b:s2+s7] =	stream.indirect.scatter [tilespmem:s19], [sflag:$0xD], $0x80, s23, s7, $0xb8;
	[tilespmem:$0x15800] =	vst v63  }
0x18c: {  	_ =	swait.ge [sflag:s15], $0x3800  }
0x18d: {  	[sflag:s15] =	ssyncset.done $0x0  }
0x18e: {  	[sflag:s15] =	ssyncadd.s32 $0xFFFFC800  }
0x18f: {  	_ =	swait.ge [sflag:s13], $0x3800  }
0x190: {  	[sflag:s13] =	ssyncset.done $0x0  }
0x191: {  	s23 =	simm.s32 $0x600;
	[sflag:s13] =	ssyncadd.s32 $0xFFFFC800  }
0x192: {  	[hbm4b:s2+s7] =	stream.indirect.scatter [tilespmem:s10], [sflag:$0x8], $0x80, s23, s7, $0xb8;
	[tilespmem:$0x15800] =	vst v63  }
0x193: {  	_ =	swait.ge [sflag:s30], $0x3800  }
0x194: {  	[sflag:s30] =	ssyncset.done $0x0  }
0x195: {  	[sflag:s30] =	ssyncadd.s32 $0xFFFFC800  }
0x196: {  	_ =	swait.ge [sflag:s11], $0x3800  }
0x197: {  	[sflag:s11] =	ssyncset.done $0x0  }
0x198: {  	s17 =	simm.s32 $0x680;
	[sflag:s11] =	ssyncadd.s32 $0xFFFFC800  }
0x199: {  	[hbm4b:s2+s7] =	stream.indirect.scatter [tilespmem:s5], [sflag:$0x9], $0x80, s17, s7, $0xb8;
	[tilespmem:$0x15800] =	vst v63  }
0x19a: {  	_ =	swait.ge [sflag:s1], $0x3800  }
0x19b: {  	[sflag:s1] =	ssyncset.done $0x0  }
0x19c: {  	[sflag:s1] =	ssyncadd.s32 $0xFFFFC800  }
0x19d: {  	_ =	swait.ge [sflag:s14], $0x3800  }
0x19e: {  	[sflag:s14] =	ssyncset.done $0x0  }
0x19f: {  	p1 =	sne.s32 s18, $0x1;
	[sflag:s14] =	ssyncadd.s32 $0xFFFFC800  }
.Ltmp2:
0x1a0: {  	_ =	swait.ge [sflag:s9], $0x3800;
	(pc) =	sbr.rel @p1 .LBB2_3-.Ltmp2, $4  }
0x1a1: {  	[sflag:s9] =	ssyncset.done $0x0  }
0x1a2: {  	[sflag:s9] =	ssyncadd.s32 $0xFFFFC800  }
0x1a3: {  	_ =	swait.ge [sflag:s8], $0x3800  }
0x1a4: {  	s18 =	sadd.s32 $0xFFFFFFFF, s18;
	s23 =	rddreg [dreg:$0x4];
	[sflag:s8] =	ssyncset.done $0x0  }
0x1a5: {  	s29 =	stileid.u32;
	s17 =	simm.s32 $0x7  }
0x1a6: {  	s20 =	simm.s32 $0x6;
	s21 =	simm.s32 $0x5;
	s25 =	simm.s32 $0x4  }
.LBB2_5:
0x1a7: {  	[sflag:s8] =	ssyncadd.s32 @p0 $0xFFFFC800  }
0x1a8: {  	[tilespmem:s3], [sflag:$0x1] =	stream.linear.gather [hbm4b:s23+s3], $0x70, $0x38;
	[tilespmem:$0x15800] =	vst v63  }
0x1a9: {  	s18 =	rddreg [dreg:$0x5]  }
0x1aa: {  	[tilespmem:s6], [sflag:$0x1] =	stream.linear.gather [hbm4b:s18+s3], $0x70, $0x38;
	[tilespmem:$0x15800] =	vst v63  }
0x1ab: {  	s31 =	rddreg [dreg:$0x6]  }
0x1ac: {  	[tilespmem:s4], [sflag:$0x1] =	stream.linear.gather [hbm4b:s31+s3], $0x70, $0x38;
	[tilespmem:$0x15800] =	vst v63  }
0x1ad: {  	s1 =	rddreg [dreg:$0x7]  }
0x1ae: {  	[tilespmem:s0], [sflag:$0x1] =	stream.linear.gather [hbm4b:s1+s3], $0x70, $0x38;
	[tilespmem:$0x15800] =	vst v63  }
0x1af: {  	s4 =	rddreg [dreg:$0x8]  }
0x1b0: {  	[tilespmem:s26], [sflag:$0x1] =	stream.linear.gather [hbm4b:s4+s3], $0x70, $0x38;
	[tilespmem:$0x15800] =	vst v63  }
0x1b1: {  	s6 =	rddreg [dreg:$0x9];
	s26 =	simm.s32 $0x280  }
0x1b2: {  	[tilespmem:s26], [sflag:$0x1] =	stream.linear.gather [hbm4b:s6+s3], $0x70, $0x38;
	[tilespmem:$0x15800] =	vst v63  }
0x1b3: {  	s12 =	rddreg [dreg:$0xa];
	s1 =	simm.s32 $0x300  }
0x1b4: {  	[tilespmem:s1], [sflag:$0x1] =	stream.linear.gather [hbm4b:s12+s3], $0x70, $0x38;
	[tilespmem:$0x15800] =	vst v63  }
0x1b5: {  	s30 =	rddreg [dreg:$0xb];
	s6 =	simm.s32 $0x380  }
0x1b6: {  	[tilespmem:s6], [sflag:$0x1] =	stream.linear.gather [hbm4b:s30+s3], $0x70, $0x38;
	[tilespmem:$0x15800] =	vst v63  }
0x1b7: {  	s31 =	rddreg [dreg:$0xc];
	s30 =	simm.s32 $0x400  }
0x1b8: {  	[tilespmem:s30], [sflag:$0x1] =	stream.linear.gather [hbm4b:s31+s3], $0x70, $0x38;
	[tilespmem:$0x15800] =	vst v63  }
0x1b9: {  	s18 =	rddreg [dreg:$0xd];
	s31 =	simm.s32 $0x480  }
0x1ba: {  	[tilespmem:s31], [sflag:$0x1] =	stream.linear.gather [hbm4b:s18+s3], $0x70, $0x38;
	[tilespmem:$0x15800] =	vst v63  }
0x1bb: {  	s23 =	rddreg [dreg:$0xe];
	s31 =	simm.s32 $0x500  }
0x1bc: {  	[tilespmem:s31], [sflag:$0x1] =	stream.linear.gather [hbm4b:s23+s3], $0x70, $0x38;
	[tilespmem:$0x15800] =	vst v63  }
0x1bd: {  	s18 =	rddreg [dreg:$0xf];
	s31 =	simm.s32 $0x580  }
0x1be: {  	[tilespmem:s31], [sflag:$0x1] =	stream.linear.gather [hbm4b:s18+s3], $0x70, $0x38;
	[tilespmem:$0x15800] =	vst v63  }
0x1bf: {  	s23 =	rddreg [dreg:$0x10];
	s31 =	simm.s32 $0x600  }
0x1c0: {  	[tilespmem:s31], [sflag:$0x1] =	stream.linear.gather [hbm4b:s23+s3], $0x70, $0x38;
	[tilespmem:$0x15800] =	vst v63  }
0x1c1: {  	s18 =	rddreg [dreg:$0x11];
	s31 =	simm.s32 $0x680  }
0x1c2: {  	[tilespmem:s31], [sflag:$0x1] =	stream.linear.gather [hbm4b:s18+s3], $0x70, $0x38;
	[tilespmem:$0x15800] =	vst v63  }
0x1c3: {  	s23 =	rddreg [dreg:$0x12]  }
0x1c4: {  	[tilespmem:s10], [sflag:$0x2] =	stream.linear.gather [hbm4b:s23+s3], $0x3800, $0x38;
	[tilespmem:$0x15800] =	vst v63  }
0x1c5: {  	s18 =	rddreg [dreg:$0x13]  }
0x1c6: {  	[tilespmem:s5], [sflag:$0x3] =	stream.linear.gather [hbm4b:s18+s3], $0x3800, $0x38;
	[tilespmem:$0x15800] =	vst v63  }
0x1c7: {  	_ =	swait.ge [sflag:s16], $0x70  }
0x1c8: {  	[sflag:s16] =	ssyncset.done $0x0  }
0x1c9: {  	[sflag:s16] =	ssyncadd.s32 $0xFFFFFF90  }
0x1ca: {  	_ =	swait.ge [sflag:s16], $0x70  }
0x1cb: {  	[sflag:s16] =	ssyncset.done $0x0  }
0x1cc: {  	[sflag:s16] =	ssyncadd.s32 $0xFFFFFF90  }
0x1cd: {  	_ =	swait.ge [sflag:s16], $0x70  }
0x1ce: {  	[sflag:s16] =	ssyncset.done $0x0  }
0x1cf: {  	[sflag:s16] =	ssyncadd.s32 $0xFFFFFF90  }
0x1d0: {  	_ =	swait.ge [sflag:s16], $0x70  }
0x1d1: {  	[sflag:s16] =	ssyncset.done $0x0  }
0x1d2: {  	[sflag:s16] =	ssyncadd.s32 $0xFFFFFF90  }
0x1d3: {  	_ =	swait.ge [sflag:s16], $0x70  }
0x1d4: {  	[sflag:s16] =	ssyncset.done $0x0  }
0x1d5: {  	[sflag:s16] =	ssyncadd.s32 $0xFFFFFF90  }
0x1d6: {  	_ =	swait.ge [sflag:s16], $0x70  }
0x1d7: {  	[sflag:s16] =	ssyncset.done $0x0  }
0x1d8: {  	[sflag:s16] =	ssyncadd.s32 $0xFFFFFF90  }
0x1d9: {  	_ =	swait.ge [sflag:s16], $0x70  }
0x1da: {  	[sflag:s16] =	ssyncset.done $0x0  }
0x1db: {  	[sflag:s16] =	ssyncadd.s32 $0xFFFFFF90  }
0x1dc: {  	_ =	swait.ge [sflag:s16], $0x70  }
0x1dd: {  	[sflag:s16] =	ssyncset.done $0x0  }
0x1de: {  	[sflag:s16] =	ssyncadd.s32 $0xFFFFFF90  }
0x1df: {  	_ =	swait.ge [sflag:s16], $0x70  }
0x1e0: {  	[sflag:s16] =	ssyncset.done $0x0  }
0x1e1: {  	[sflag:s16] =	ssyncadd.s32 $0xFFFFFF90  }
0x1e2: {  	_ =	swait.ge [sflag:s16], $0x70  }
0x1e3: {  	[sflag:s16] =	ssyncset.done $0x0  }
0x1e4: {  	[sflag:s16] =	ssyncadd.s32 $0xFFFFFF90  }
0x1e5: {  	_ =	swait.ge [sflag:s16], $0x70  }
0x1e6: {  	[sflag:s16] =	ssyncset.done $0x0  }
0x1e7: {  	[sflag:s16] =	ssyncadd.s32 $0xFFFFFF90  }
0x1e8: {  	_ =	swait.ge [sflag:s16], $0x70  }
0x1e9: {  	[sflag:s16] =	ssyncset.done $0x0  }
0x1ea: {  	[sflag:s16] =	ssyncadd.s32 $0xFFFFFF90  }
0x1eb: {  	_ =	swait.ge [sflag:s16], $0x70  }
0x1ec: {  	[sflag:s16] =	ssyncset.done $0x0  }
0x1ed: {  	[sflag:s16] =	ssyncadd.s32 $0xFFFFFF90  }
0x1ee: {  	_ =	swait.ge [sflag:s16], $0x70  }
0x1ef: {  	[sflag:s16] =	ssyncset.done $0x0  }
0x1f0: {  	s23 =	rddreg [dreg:$0x14];
	[sflag:s16] =	ssyncadd.s32 $0xFFFFFF90  }
0x1f1: {  	[tilespmem:s28], [sflag:$0x4] =	stream.linear.gather [hbm4b:s23+s3], $0x3800, $0x38;
	[tilespmem:$0x15800] =	vst v63  }
0x1f2: {  	_ =	swait.ge [sflag:s13], $0x3800  }
0x1f3: {  	[sflag:s13] =	ssyncset.done $0x0  }
0x1f4: {  	[sflag:s13] =	ssyncadd.s32 $0xFFFFC800  }
0x1f5: {  	[hbm4b:s2+s7] =	stream.indirect.scatter [tilespmem:s10], [sflag:$0x8], $0x80, s3, s7, $0xb8;
	[tilespmem:$0x15800] =	vst v63  }
0x1f6: {  	s23 =	rddreg [dreg:$0x15]  }
0x1f7: {  	[tilespmem:s24], [sflag:$0x5] =	stream.linear.gather [hbm4b:s23+s3], $0x3800, $0x38;
	[tilespmem:$0x15800] =	vst v63  }
0x1f8: {  	_ =	swait.ge [sflag:s11], $0x3800  }
0x1f9: {  	[sflag:s11] =	ssyncset.done $0x0  }
0x1fa: {  	s12 =	simm.s32 $0x80;
	[sflag:s11] =	ssyncadd.s32 $0xFFFFC800  }
0x1fb: {  	[hbm4b:s2+s7] =	stream.indirect.scatter [tilespmem:s5], [sflag:$0x9], $0x80, s12, s7, $0xb8;
	[tilespmem:$0x15800] =	vst v63  }
0x1fc: {  	s18 =	rddreg [dreg:$0x16]  }
0x1fd: {  	[tilespmem:s22], [sflag:$0x6] =	stream.linear.gather [hbm4b:s18+s3], $0x3800, $0x38;
	[tilespmem:$0x15800] =	vst v63  }
0x1fe: {  	_ =	swait.ge [sflag:s25], $0x3800  }
0x1ff: {  	[sflag:s25] =	ssyncset.done $0x0  }
0x200: {  	s0 =	simm.s32 $0x100;
	[sflag:s25] =	ssyncadd.s32 $0xFFFFC800  }
0x201: {  	[hbm4b:s2+s7] =	stream.indirect.scatter [tilespmem:s28], [sflag:$0xA], $0x80, s0, s7, $0xb8;
	[tilespmem:$0x15800] =	vst v63  }
0x202: {  	s23 =	rddreg [dreg:$0x17]  }
0x203: {  	[tilespmem:s19], [sflag:$0x7] =	stream.linear.gather [hbm4b:s23+s3], $0x3800, $0x38;
	[tilespmem:$0x15800] =	vst v63  }
0x204: {  	_ =	swait.ge [sflag:s21], $0x3800  }
0x205: {  	[sflag:s21] =	ssyncset.done $0x0  }
0x206: {  	s4 =	simm.s32 $0x180;
	[sflag:s21] =	ssyncadd.s32 $0xFFFFC800  }
0x207: {  	[hbm4b:s2+s7] =	stream.indirect.scatter [tilespmem:s24], [sflag:$0xB], $0x80, s4, s7, $0xb8;
	[tilespmem:$0x15800] =	vst v63  }
0x208: {  	_ =	swait.ge [sflag:s9], $0x3800  }
0x209: {  	[sflag:s9] =	ssyncset.done $0x0  }
0x20a: {  	s16 =	rddreg [dreg:$0x18];
	[sflag:s9] =	ssyncadd.s32 $0xFFFFC800  }
0x20b: {  	[tilespmem:s10], [sflag:$0x2] =	stream.linear.gather [hbm4b:s16+s3], $0x3800, $0x38;
	[tilespmem:$0x15800] =	vst v63  }
0x20c: {  	_ =	swait.ge [sflag:s20], $0x3800  }
0x20d: {  	[sflag:s20] =	ssyncset.done $0x0  }
0x20e: {  	s18 =	simm.s32 $0x200;
	[sflag:s20] =	ssyncadd.s32 $0xFFFFC800  }
0x20f: {  	[hbm4b:s2+s7] =	stream.indirect.scatter [tilespmem:s22], [sflag:$0xC], $0x80, s18, s7, $0xb8;
	[tilespmem:$0x15800] =	vst v63  }
0x210: {  	_ =	swait.ge [sflag:s8], $0x3800  }
0x211: {  	[sflag:s8] =	ssyncset.done $0x0  }
0x212: {  	s23 =	rddreg [dreg:$0x19];
	[sflag:s8] =	ssyncadd.s32 $0xFFFFC800  }
0x213: {  	[tilespmem:s5], [sflag:$0x3] =	stream.linear.gather [hbm4b:s23+s3], $0x3800, $0x38;
	[tilespmem:$0x15800] =	vst v63  }
0x214: {  	_ =	swait.ge [sflag:s17], $0x3800  }
0x215: {  	[sflag:s17] =	ssyncset.done $0x0  }
0x216: {  	[sflag:s17] =	ssyncadd.s32 $0xFFFFC800  }
0x217: {  	[hbm4b:s2+s7] =	stream.indirect.scatter [tilespmem:s19], [sflag:$0xD], $0x80, s26, s7, $0xb8;
	[tilespmem:$0x15800] =	vst v63  }
0x218: {  	_ =	swait.ge [sflag:s15], $0x3800  }
0x219: {  	[sflag:s15] =	ssyncset.done $0x0  }
0x21a: {  	s26 =	rddreg [dreg:$0x1a];
	[sflag:s15] =	ssyncadd.s32 $0xFFFFC800  }
0x21b: {  	[tilespmem:s28], [sflag:$0x4] =	stream.linear.gather [hbm4b:s26+s3], $0x3800, $0x38;
	[tilespmem:$0x15800] =	vst v63  }
0x21c: {  	_ =	swait.ge [sflag:s13], $0x3800  }
0x21d: {  	[sflag:s13] =	ssyncset.done $0x0  }
0x21e: {  	s4 =	simm.s32 $0xB;
	[sflag:s13] =	ssyncadd.s32 $0xFFFFC800  }
0x21f: {  	[hbm4b:s2+s7] =	stream.indirect.scatter [tilespmem:s10], [sflag:$0x8], $0x80, s1, s7, $0xb8;
	[tilespmem:$0x15800] =	vst v63  }
0x220: {  	_ =	swait.ge [sflag:s4], $0x3800  }
0x221: {  	[sflag:s4] =	ssyncset.done $0x0  }
0x222: {  	s1 =	rddreg [dreg:$0x1b];
	[sflag:s4] =	ssyncadd.s32 $0xFFFFC800  }
0x223: {  	[tilespmem:s24], [sflag:$0x5] =	stream.linear.gather [hbm4b:s1+s3], $0x3800, $0x38;
	[tilespmem:$0x15800] =	vst v63  }
0x224: {  	_ =	swait.ge [sflag:s11], $0x3800  }
0x225: {  	[sflag:s11] =	ssyncset.done $0x0  }
0x226: {  	s12 =	simm.s32 $0xC;
	[sflag:s11] =	ssyncadd.s32 $0xFFFFC800  }
0x227: {  	[hbm4b:s2+s7] =	stream.indirect.scatter [tilespmem:s5], [sflag:$0x9], $0x80, s6, s7, $0xb8;
	[tilespmem:$0x15800] =	vst v63  }
0x228: {  	_ =	swait.ge [sflag:s12], $0x3800  }
0x229: {  	[sflag:s12] =	ssyncset.done $0x0  }
0x22a: {  	s16 =	rddreg [dreg:$0x1c];
	[sflag:s12] =	ssyncadd.s32 $0xFFFFC800  }
0x22b: {  	[tilespmem:s22], [sflag:$0x6] =	stream.linear.gather [hbm4b:s16+s3], $0x3800, $0x38;
	[tilespmem:$0x15800] =	vst v63  }
0x22c: {  	_ =	swait.ge [sflag:s25], $0x3800  }
0x22d: {  	[sflag:s25] =	ssyncset.done $0x0  }
0x22e: {  	[sflag:s25] =	ssyncadd.s32 $0xFFFFC800  }
0x22f: {  	[hbm4b:s2+s7] =	stream.indirect.scatter [tilespmem:s28], [sflag:$0xA], $0x80, s30, s7, $0xb8;
	[tilespmem:$0x15800] =	vst v63  }
0x230: {  	_ =	swait.ge [sflag:s14], $0x3800  }
0x231: {  	[sflag:s14] =	ssyncset.done $0x0  }
0x232: {  	s18 =	rddreg [dreg:$0x1d];
	[sflag:s14] =	ssyncadd.s32 $0xFFFFC800  }
0x233: {  	[tilespmem:s19], [sflag:$0x7] =	stream.linear.gather [hbm4b:s18+s3], $0x3800, $0x38;
	[tilespmem:$0x15800] =	vst v63  }
0x234: {  	_ =	swait.ge [sflag:s21], $0x3800  }
0x235: {  	[sflag:s21] =	ssyncset.done $0x0  }
0x236: {  	s23 =	simm.s32 $0x480;
	[sflag:s21] =	ssyncadd.s32 $0xFFFFC800  }
0x237: {  	[hbm4b:s2+s7] =	stream.indirect.scatter [tilespmem:s24], [sflag:$0xB], $0x80, s23, s7, $0xb8;
	[tilespmem:$0x15800] =	vst v63  }
0x238: {  	_ =	swait.ge [sflag:s9], $0x3800  }
0x239: {  	[sflag:s9] =	ssyncset.done $0x0  }
0x23a: {  	s24 =	rddreg [dreg:$0x1e];
	[sflag:s9] =	ssyncadd.s32 $0xFFFFC800  }
0x23b: {  	[tilespmem:s10], [sflag:$0x2] =	stream.linear.gather [hbm4b:s24+s3], $0x3800, $0x38;
	[tilespmem:$0x15800] =	vst v63  }
0x23c: {  	_ =	swait.ge [sflag:s20], $0x3800  }
0x23d: {  	[sflag:s20] =	ssyncset.done $0x0  }
0x23e: {  	s25 =	simm.s32 $0x500;
	[sflag:s20] =	ssyncadd.s32 $0xFFFFC800  }
0x23f: {  	[hbm4b:s2+s7] =	stream.indirect.scatter [tilespmem:s22], [sflag:$0xC], $0x80, s25, s7, $0xb8;
	[tilespmem:$0x15800] =	vst v63  }
0x240: {  	_ =	swait.ge [sflag:s8], $0x3800  }
0x241: {  	[sflag:s8] =	ssyncset.done $0x0  }
0x242: {  	s26 =	rddreg [dreg:$0x1f];
	[sflag:s8] =	ssyncadd.s32 $0xFFFFC800  }
0x243: {  	[tilespmem:s5], [sflag:$0x3] =	stream.linear.gather [hbm4b:s26+s3], $0x3800, $0x38;
	[tilespmem:$0x15800] =	vst v63  }
0x244: {  	_ =	swait.ge [sflag:s17], $0x3800  }
0x245: {  	[sflag:s17] =	ssyncset.done $0x0  }
0x246: {  	s28 =	simm.s32 $0x580;
	[sflag:s17] =	ssyncadd.s32 $0xFFFFC800  }
0x247: {  	[hbm4b:s2+s7] =	stream.indirect.scatter [tilespmem:s19], [sflag:$0xD], $0x80, s28, s7, $0xb8;
	[tilespmem:$0x15800] =	vst v63  }
0x248: {  	_ =	swait.ge [sflag:s15], $0x3800  }
0x249: {  	[sflag:s15] =	ssyncset.done $0x0  }
0x24a: {  	[sflag:s15] =	ssyncadd.s32 $0xFFFFC800  }
0x24b: {  	_ =	swait.ge [sflag:s13], $0x3800  }
0x24c: {  	[sflag:s13] =	ssyncset.done $0x0  }
0x24d: {  	s30 =	simm.s32 $0x600;
	[sflag:s13] =	ssyncadd.s32 $0xFFFFC800  }
0x24e: {  	[hbm4b:s2+s7] =	stream.indirect.scatter [tilespmem:s10], [sflag:$0x8], $0x80, s30, s7, $0xb8;
	[tilespmem:$0x15800] =	vst v63  }
0x24f: {  	_ =	swait.ge [sflag:s4], $0x3800  }
0x250: {  	[sflag:s4] =	ssyncset.done $0x0  }
0x251: {  	[sflag:s4] =	ssyncadd.s32 $0xFFFFC800  }
0x252: {  	_ =	swait.ge [sflag:s11], $0x3800  }
0x253: {  	[sflag:s11] =	ssyncset.done $0x0  }
0x254: {  	[sflag:s11] =	ssyncadd.s32 $0xFFFFC800  }
0x255: {  	[hbm4b:s2+s7] =	stream.indirect.scatter [tilespmem:s5], [sflag:$0x9], $0x80, s31, s7, $0xb8;
	[tilespmem:$0x15800] =	vst v63  }
0x256: {  	_ =	swait.ge [sflag:s12], $0x3800  }
0x257: {  	[sflag:s12] =	ssyncset.done $0x0  }
0x258: {  	[sflag:s12] =	ssyncadd.s32 $0xFFFFC800  }
0x259: {  	_ =	swait.ge [sflag:s14], $0x3800  }
0x25a: {  	[sflag:s14] =	ssyncset.done $0x0  }
0x25b: {  	[sflag:s14] =	ssyncadd.s32 $0xFFFFC800  }
0x25c: {  	_ =	swait.ge [sflag:s9], $0x3800  }
0x25d: {  	[sflag:s9] =	ssyncset.done $0x0  }
0x25e: {  	[sflag:s9] =	ssyncadd.s32 $0xFFFFC800  }
0x25f: {  	_ =	swait.ge [sflag:s8], $0x3800  }
0x260: {  	[sflag:s8] =	ssyncset.done $0x0  }
0x261: {  	[sflag:s8] =	ssyncadd.s32 $0xFFFFC800  }
0x262: {  	_ =	sfence.sel $0x180000  }
0x263: {  	[bflag:$0x0] =	sbarrier.arrive $0xFFFF  }
0x264: {  	_ =	strace $0x90000047  }
0x265: {  	[bflag:$0x2] =	sbarrier.arrive $0xFFFF  }
0x266: {  	p0 =	sne.s32 s29, $0x0;
	s0 =	rddreg [dreg:$0x3]  }
0x267: {  	s0 =	sadd.s32 @!p0 $0x100000, s0  }
0x268: {  	[sflag:s0] =	ssyncadd.tile.s32 @!p0 $0x1;
	_ =	shalt  }
.LBB2_6:
.Ltmp3:
0x269: {  	(pc) =	sbr.rel .LBB2_5-.Ltmp3, $3  }
0x26a: {  	_ =	sdelay $0x1  }
0x26b: {  	s29 =	stileid.u32;
	s17 =	simm.s32 $0x7  }
0x26c: {  	s20 =	simm.s32 $0x6;
	s21 =	simm.s32 $0x5;
	s25 =	simm.s32 $0x4  }
.Lfunc_end2:
_tile_overlayer_lowered:
.L_overlay_start_2:
0x26d: {  	(tag) =	ssettag $0x2  }
0x26e: {  	s0 =	rddreg [dreg:$0x0];
	s2 =	stileid.u32  }
0x26f: {  	s1 =	rddreg [dreg:$0x1];
	p0 =	sne.s32 s2, $0x0  }
0x270: {  	s3 =	rddreg [dreg:$0x2];
	[bflag:$0x3] =	sbarrier.arrive $0xFFFF;
	s2 =	simm.s32 @!p0 $0x1C0E  }
0x271: {  	[timem:s3], [sflag:s2] =	dma.local @!p0 [hbm:s0], s1  }
0x272: {  	s0 =	simm.s32 @!p0 $0xE  }
0x273: {  	_ =	swait.ge @!p0 [sflag:s0], s1  }
0x274: {  	s1 =	ssub.s32 @!p0 $0x0, s1;
	[sflag:s0] =	ssyncset.done @!p0 $0x0  }
0x275: {  	[sflag:s0] =	ssyncadd.s32 @!p0 s1  }
0x276: {  	[bflag:$0x3] =	sbarrier.arrive $0xFFFF  }
0x277: {  	_ =	shalt  }

</sc_bundles>
